<compile_context>
chip_gen: v7x
topology: tpu7x:2x2x1
jax: 0.10.2.dev20260603
libtpu: 0.0.44.dev20260713+nightly
codegen_flags: <defaults>
</compile_context>

<pallas_src>
import functools
import jax
import jax.numpy as jnp
from jax import lax
from jax.experimental import pallas as pl
from jax.experimental.pallas import tpu as pltpu
from jax.experimental.pallas import tpu_sc as plsc

_NC = 2
_NS = 16
_L = 16
_C = 4


def _lane_gather(v, idx):
    dnums = lax.GatherDimensionNumbers(
        offset_dims=(), collapsed_slice_dims=(0,), start_index_map=(0,))
    return lax.gather(
        v, idx[:, None], dnums, slice_sizes=(1,),
        mode=lax.GatherScatterMode.PROMISE_IN_BOUNDS)


def _butterfly_sum(v):
    lanes = jnp.arange(_L, dtype=jnp.int32)
    for s in (1, 2, 4, 8):
        v = v + _lane_gather(v, lanes ^ s)
    return v


def _make_sc_attend(B, M, d, row0, nrows):
    nw = _NC * _NS
    rows_per_w = nrows // nw
    n_chunks = rows_per_w // _C
    nk = d // _L
    mesh = plsc.VectorSubcoreMesh(core_axis_name="c", subcore_axis_name="s")

    @functools.partial(
        pl.kernel,
        mesh=mesh,
        out_type=jax.ShapeDtypeStruct((nrows, d), jnp.float32),
        scratch_types=[
            pltpu.VMEM((rows_per_w, d), jnp.float32),
            pltpu.VMEM((_C, M, d), jnp.float32),
            pltpu.VMEM((_C, M, d), jnp.float32),
            pltpu.VMEM((_C, d), jnp.float32),
            pltpu.SemaphoreType.DMA,
            pltpu.SemaphoreType.DMA,
        ],
    )
    def sc_attend(h_hbm, mem_hbm, r_hbm, h_v, mb0, mb1, r_v, sem0, sem1):
        wid = lax.axis_index("s") * _NC + lax.axis_index("c")
        out_base = wid * rows_per_w
        base = row0 + out_base
        pltpu.sync_copy(h_hbm.at[pl.ds(base, rows_per_w)], h_v)

        def compute_chunk(chunk_idx, mb):
            def row_body(c, _):
                hv = [h_v[chunk_idx * _C + c, pl.ds(k * _L, _L)]
                      for k in range(nk)]
                den0 = jnp.zeros((_L,), jnp.float32)
                racc0 = [jnp.zeros((_L,), jnp.float32) for _ in range(nk)]

                def m_body(m, carry):
                    den = carry[0]
                    racc = list(carry[1:])
                    mv = [mb[c, m, pl.ds(k * _L, _L)] for k in range(nk)]
                    s = mv[0] * hv[0]
                    for k in range(1, nk):
                        s = s + mv[k] * hv[k]
                    e = jnp.exp(_butterfly_sum(s))
                    den = den + e
                    for k in range(nk):
                        racc[k] = racc[k] + e * mv[k]
                    return tuple([den] + racc)

                out = lax.fori_loop(0, M, m_body, tuple([den0] + racc0))
                den = out[0]
                inv = 1.0 / den
                for k in range(nk):
                    r_v[c, pl.ds(k * _L, _L)] = out[1 + k] * inv
                return 0

            lax.fori_loop(0, _C, row_body, 0)
            pltpu.sync_copy(
                r_v, r_hbm.at[pl.ds(out_base + chunk_idx * _C, _C)])

        cp0 = pltpu.async_copy(mem_hbm.at[pl.ds(base, _C)], mb0, sem0)

        def outer(t, _):
            ca = 2 * t
            row_a = base + ca * _C
            cpb = pltpu.async_copy(
                mem_hbm.at[pl.ds(row_a + _C, _C)], mb1, sem1)
            pltpu.make_async_copy(
                mem_hbm.at[pl.ds(row_a, _C)], mb0, sem0).wait()
            compute_chunk(ca, mb0)

            @pl.when(t < n_chunks // 2 - 1)
            def _():
                pltpu.async_copy(
                    mem_hbm.at[pl.ds(row_a + 2 * _C, _C)], mb0, sem0)

            cpb.wait()
            compute_chunk(ca + 1, mb1)
            return 0

        lax.fori_loop(0, n_chunks // 2, outer, 0)

    return sc_attend


_R = 512
_RT = 256
_B_TC = 2048


def _gate_body(h_ref, r_ref, wg_ref, ug_ref, bias_ref, out_ref):
    h = h_ref[...]
    r = r_ref[...]
    z = jnp.dot(h, wg_ref[...], preferred_element_type=jnp.float32)
    z = z + jnp.dot(r, ug_ref[...], preferred_element_type=jnp.float32)
    g = jax.nn.sigmoid(z + bias_ref[...])
    out_ref[...] = g * r + (1.0 - g) * h


def _tc_fused_body(h_ref, mem_ref, wg_ref, ug_ref, bias_ref, out_ref):
    h = h_ref[...]
    mem = mem_ref[...]
    scores = jnp.sum(mem * h[:, None, :], axis=2)
    e = jnp.exp(scores)
    attn = e / jnp.sum(e, axis=1, keepdims=True)
    r = jnp.sum(attn[:, :, None] * mem, axis=1)
    z = jnp.dot(h, wg_ref[...], preferred_element_type=jnp.float32)
    z = z + jnp.dot(r, ug_ref[...], preferred_element_type=jnp.float32)
    g = jax.nn.sigmoid(z + bias_ref[...])
    out_ref[...] = g * r + (1.0 - g) * h


def _tc_fused(h, mem, wg, ug, bias, nrows):
    B, M, d = mem.shape
    return pl.pallas_call(
        _tc_fused_body,
        grid=(nrows // _RT,),
        in_specs=[
            pl.BlockSpec((_RT, d), lambda i: (i, 0)),
            pl.BlockSpec((_RT, M, d), lambda i: (i, 0, 0)),
            pl.BlockSpec((d, d), lambda i: (0, 0)),
            pl.BlockSpec((d, d), lambda i: (0, 0)),
            pl.BlockSpec((1, d), lambda i: (0, 0)),
        ],
        out_specs=pl.BlockSpec((_RT, d), lambda i: (i, 0)),
        out_shape=jax.ShapeDtypeStruct((nrows, d), jnp.float32),
        compiler_params=pltpu.CompilerParams(
            dimension_semantics=("arbitrary",),
        ),
    )(h, mem, wg, ug, bias)


@jax.jit
def kernel(h_tilde, mem_bank, W_g_w, W_g_b, U_g_w, U_g_b, b_g):
    B, M, d = mem_bank.shape
    wg = W_g_w.T
    ug = U_g_w.T
    bias = (W_g_b + U_g_b + b_g).reshape(1, d)
    r_sc = _make_sc_attend(B, M, d, _B_TC, B - _B_TC)(h_tilde, mem_bank)
    u_tc = _tc_fused(h_tilde, mem_bank, wg, ug, bias, _B_TC)
    n_sc = B - _B_TC
    off = _B_TC // _R
    u_sc = pl.pallas_call(
        _gate_body,
        grid=(n_sc // _R,),
        in_specs=[
            pl.BlockSpec((_R, d), lambda i: (i + off, 0)),
            pl.BlockSpec((_R, d), lambda i: (i, 0)),
            pl.BlockSpec((d, d), lambda i: (0, 0)),
            pl.BlockSpec((d, d), lambda i: (0, 0)),
            pl.BlockSpec((1, d), lambda i: (0, 0)),
        ],
        out_specs=pl.BlockSpec((_R, d), lambda i: (i, 0)),
        out_shape=jax.ShapeDtypeStruct((n_sc, d), jnp.float32),
        compiler_params=pltpu.CompilerParams(
            dimension_semantics=("arbitrary",),
        ),
    )(h_tilde, r_sc, wg, ug, bias)
    return jnp.concatenate([u_tc, u_sc], axis=0)

# --- scband reference (transcript-rebuilt; emitter-appended) ---
"""Pipeline reference for scband-attribute-memory-fusion-27419071218472 (READ-ONLY COPY).

The authoritative reference and input builder live on the scoring server;
editing this copy changes nothing except your own understanding.
"""

import jax, jax.numpy as jnp
import numpy as np


def setup_inputs(seed: int = 0) -> dict:
    key = jax.random.key(seed)
    ks = jax.random.split(key, 6)
    B, M, d = 4096, 50, 128
    h_tilde = jax.random.normal(ks[0], (B, d), dtype=jnp.float32)
    mem_bank = jax.random.normal(ks[1], (B, M, d), dtype=jnp.float32)
    W_g_w = jax.random.normal(ks[2], (d, d), dtype=jnp.float32) * 0.02
    W_g_b = jnp.zeros((d,), dtype=jnp.float32)
    U_g_w = jax.random.normal(ks[3], (d, d), dtype=jnp.float32) * 0.02
    U_g_b = jnp.zeros((d,), dtype=jnp.float32)
    b_g = jnp.zeros((d,), dtype=jnp.float32)
    return {
        "h_tilde": h_tilde,
        "mem_bank": mem_bank,
        "W_g_w": W_g_w,
        "W_g_b": W_g_b,
        "U_g_w": U_g_w,
        "U_g_b": U_g_b,
        "b_g": b_g,
    }


def reference(h_tilde, mem_bank, W_g_w, W_g_b, U_g_w, U_g_b, b_g):
    # Vectorized form of the per-row loop: every row i attends over its own
    # memory slots mem_bank[i] (equivalent to memory_bank.get(i), all non-empty).
    # scores_i = mem_i @ h_i   -> [B, M]
    scores = jnp.einsum('bmd,bd->bm', mem_bank, h_tilde)
    attn = jax.nn.softmax(scores, axis=1)
    # r_i = sum_m attn[i,m] * mem_i[m]  -> [B, d]
    r = jnp.einsum('bm,bmd->bd', attn, mem_bank)
    # gate: sigmoid(W_g h + U_g r + b_g) with nn.Linear semantics (x @ W.T + b)
    g = jax.nn.sigmoid(h_tilde @ W_g_w.T + W_g_b + r @ U_g_w.T + U_g_b + b_g)
    u = g * r + (1.0 - g) * h_tilde
    return u

if __name__ == "__main__":
    import jax
    _d = setup_inputs()
    print(jax.jit(kernel)(*tuple(_d.values())))

</pallas_src>

<mosaic_0001>
#map = affine_map<(d0, d1) -> (0, 0)>
#map1 = affine_map<(d0, d1) -> (0, 0, 0)>
module attributes {stable_mosaic.version = 14 : i64} {
  func.func @sc_attend(%arg0: i32, %arg1: i32, %arg2: memref<4096x128xf32, #tpu.memory_space<hbm>>, %arg3: memref<4096x50x128xf32, #tpu.memory_space<hbm>>, %arg4: memref<2048x128xf32, #tpu.memory_space<hbm>>, %arg5: memref<64x128xf32, #tpu.memory_space<vmem>>, %arg6: memref<4x50x128xf32, #tpu.memory_space<vmem>>, %arg7: memref<4x50x128xf32, #tpu.memory_space<vmem>>, %arg8: memref<4x128xf32, #tpu.memory_space<vmem>>, %arg9: memref<!tpu.dma_semaphore, #tpu.memory_space<semaphore_mem>>, %arg10: memref<!tpu.dma_semaphore, #tpu.memory_space<semaphore_mem>>) attributes {dimension_semantics = [#tpu.dimension_semantics<core_parallel>, #tpu.dimension_semantics<subcore_parallel>], iteration_bounds = array<i64: 2, 16>, scalar_prefetch = 0 : i64, scratch_operands = 6 : i64, tpu.core_type = #tpu.core_type<sc_vector_subcore>, window_params = [{transform_indices = #map}, {transform_indices = #map1}, {transform_indices = #map}]} {
    %mul3A = arith.constant 2 : i32
    %mul3A_0 = arith.muli %arg1, %mul3A : i32
    %add3A = arith.addi %mul3A_0, %arg0 : i32
    %mul3A_1 = arith.constant 64 : i32
    %mul3A_2 = arith.muli %add3A, %mul3A_1 : i32
    %add3A_3 = arith.constant 2048 : i32
    %add3A_4 = arith.addi %add3A_3, %mul3A_2 : i32
    "tpu.region"() ({
      %run_scoped3A = tpu.sem_alloc : memref<!tpu.dma_semaphore, #tpu.memory_space<semaphore_mem>>
      %dma_start3A_16 = arith.constant 0 : i32
      %dma_start3A_17 = tpu.memref_slice %arg2[%add3A_4, %dma_start3A_16] : memref<4096x128xf32, #tpu.memory_space<hbm>> -> memref<64x128xf32, #tpu.memory_space<hbm>>
      %dma_start3A_18 = arith.constant 0 : i32
      %dma_start3A_19 = tpu.memref_slice %arg2[%add3A_4, %dma_start3A_18] : memref<4096x128xf32, #tpu.memory_space<hbm>> -> memref<64x128xf32, #tpu.memory_space<hbm>>
      tpu.enqueue_dma source(%dma_start3A_19 : memref<64x128xf32, #tpu.memory_space<hbm>>) target(%arg5 : memref<64x128xf32, #tpu.memory_space<vmem>>) target_semaphore(%run_scoped3A : memref<!tpu.dma_semaphore, #tpu.memory_space<semaphore_mem>>)
      %dma_wait3A = arith.constant 0 : i32
      %dma_wait3A_20 = tpu.memref_slice %arg2[%add3A_4, %dma_wait3A] : memref<4096x128xf32, #tpu.memory_space<hbm>> -> memref<64x128xf32, #tpu.memory_space<hbm>>
      %dma_wait3A_21 = arith.constant 0 : i32
      %dma_wait3A_22 = tpu.memref_slice %arg2[%add3A_4, %dma_wait3A_21] : memref<4096x128xf32, #tpu.memory_space<hbm>> -> memref<64x128xf32, #tpu.memory_space<hbm>>
      tpu.wait_dma2 semaphore(%run_scoped3A : memref<!tpu.dma_semaphore, #tpu.memory_space<semaphore_mem>>) src(%dma_wait3A_22 : memref<64x128xf32, #tpu.memory_space<hbm>>) dst(%arg5 : memref<64x128xf32, #tpu.memory_space<vmem>>)
      tpu.yield
    }) : () -> ()
    %dma_start3A = arith.constant 0 : i32
    %dma_start3A_5 = arith.constant 0 : i32
    %dma_start3A_6 = tpu.memref_slice %arg3[%add3A_4, %dma_start3A, %dma_start3A_5] : memref<4096x50x128xf32, #tpu.memory_space<hbm>> -> memref<4x50x128xf32, #tpu.memory_space<hbm>>
    %dma_start3A_7 = arith.constant 0 : i32
    %dma_start3A_8 = arith.constant 0 : i32
    %dma_start3A_9 = tpu.memref_slice %arg3[%add3A_4, %dma_start3A_7, %dma_start3A_8] : memref<4096x50x128xf32, #tpu.memory_space<hbm>> -> memref<4x50x128xf32, #tpu.memory_space<hbm>>
    tpu.enqueue_dma source(%dma_start3A_9 : memref<4x50x128xf32, #tpu.memory_space<hbm>>) target(%arg6 : memref<4x50x128xf32, #tpu.memory_space<vmem>>) target_semaphore(%arg9 : memref<!tpu.dma_semaphore, #tpu.memory_space<semaphore_mem>>)
    %scan3A = arith.constant 0 : i32
    %scan3A_10 = arith.constant 0 : i32
    %scan3A_11 = arith.constant 8 : i32
    %scan3A_12 = arith.addi %scan3A_10, %scan3A_11 : i32
    %scan3A_13 = arith.constant 1 : i32
    %scan3A_14 = scf.for %scan3A_16 = %scan3A_10 to %scan3A_12 step %scan3A_13 iter_args(%scan3A_17 = %scan3A) -> (i32)  : i32 {
      %mul3A_18 = arith.constant 2 : i32
      %mul3A_19 = arith.muli %mul3A_18, %scan3A_16 : i32
      %mul3A_20 = arith.constant 4 : i32
      %mul3A_21 = arith.muli %mul3A_19, %mul3A_20 : i32
      %add3A_22 = arith.addi %add3A_4, %mul3A_21 : i32
      %add3A_23 = arith.constant 4 : i32
      %add3A_24 = arith.addi %add3A_22, %add3A_23 : i32
      %dma_start3A_25 = arith.constant 0 : i32
      %dma_start3A_26 = arith.constant 0 : i32
      %dma_start3A_27 = tpu.memref_slice %arg3[%add3A_24, %dma_start3A_25, %dma_start3A_26] : memref<4096x50x128xf32, #tpu.memory_space<hbm>> -> memref<4x50x128xf32, #tpu.memory_space<hbm>>
      %dma_start3A_28 = arith.constant 0 : i32
      %dma_start3A_29 = arith.constant 0 : i32
      %dma_start3A_30 = tpu.memref_slice %arg3[%add3A_24, %dma_start3A_28, %dma_start3A_29] : memref<4096x50x128xf32, #tpu.memory_space<hbm>> -> memref<4x50x128xf32, #tpu.memory_space<hbm>>
      tpu.enqueue_dma source(%dma_start3A_30 : memref<4x50x128xf32, #tpu.memory_space<hbm>>) target(%arg7 : memref<4x50x128xf32, #tpu.memory_space<vmem>>) target_semaphore(%arg10 : memref<!tpu.dma_semaphore, #tpu.memory_space<semaphore_mem>>)
      %dma_wait3A = arith.constant 0 : i32
      %dma_wait3A_31 = arith.constant 0 : i32
      %dma_wait3A_32 = tpu.memref_slice %arg3[%add3A_22, %dma_wait3A, %dma_wait3A_31] : memref<4096x50x128xf32, #tpu.memory_space<hbm>> -> memref<4x50x128xf32, #tpu.memory_space<hbm>>
      %dma_wait3A_33 = arith.constant 0 : i32
      %dma_wait3A_34 = arith.constant 0 : i32
      %dma_wait3A_35 = tpu.memref_slice %arg3[%add3A_22, %dma_wait3A_33, %dma_wait3A_34] : memref<4096x50x128xf32, #tpu.memory_space<hbm>> -> memref<4x50x128xf32, #tpu.memory_space<hbm>>
      tpu.wait_dma2 semaphore(%arg9 : memref<!tpu.dma_semaphore, #tpu.memory_space<semaphore_mem>>) src(%dma_wait3A_35 : memref<4x50x128xf32, #tpu.memory_space<hbm>>) dst(%arg6 : memref<4x50x128xf32, #tpu.memory_space<vmem>>)
      %scan3A_36 = arith.constant 0 : i32
      %scan3A_37 = arith.constant 0 : i32
      %scan3A_38 = arith.constant 4 : i32
      %scan3A_39 = arith.addi %scan3A_37, %scan3A_38 : i32
      %scan3A_40 = arith.constant 1 : i32
      %scan3A_41 = scf.for %scan3A_67 = %scan3A_37 to %scan3A_39 step %scan3A_40 iter_args(%scan3A_68 = %scan3A_36) -> (i32)  : i32 {
        %mul3A_69 = arith.constant 4 : i32
        %mul3A_70 = arith.muli %mul3A_19, %mul3A_69 : i32
        %add3A_71 = arith.addi %mul3A_70, %scan3A_67 : i32
        %get3A = arith.index_cast %add3A_71 : i32 to index
        %get3A_72 = arith.constant 0 : index
        %get3A_73 = tpu.vector_load %arg5[%get3A, %get3A_72] {strides = array<i32>} : memref<64x128xf32, #tpu.memory_space<vmem>>, vector<1x16xf32>,
        %get3A_74 = vector.shape_cast %get3A_73 : vector<1x16xf32> to vector<16xf32>
        %mul3A_75 = arith.constant 4 : i32
        %mul3A_76 = arith.muli %mul3A_19, %mul3A_75 : i32
        %add3A_77 = arith.addi %mul3A_76, %scan3A_67 : i32
        %get3A_78 = arith.index_cast %add3A_77 : i32 to index
        %get3A_79 = arith.constant 16 : index
        %get3A_80 = tpu.vector_load %arg5[%get3A_78, %get3A_79] {strides = array<i32>} : memref<64x128xf32, #tpu.memory_space<vmem>>, vector<1x16xf32>,
        %get3A_81 = vector.shape_cast %get3A_80 : vector<1x16xf32> to vector<16xf32>
        %mul3A_82 = arith.constant 4 : i32
        %mul3A_83 = arith.muli %mul3A_19, %mul3A_82 : i32
        %add3A_84 = arith.addi %mul3A_83, %scan3A_67 : i32
        %get3A_85 = arith.index_cast %add3A_84 : i32 to index
        %get3A_86 = arith.constant 32 : index
        %get3A_87 = tpu.vector_load %arg5[%get3A_85, %get3A_86] {strides = array<i32>} : memref<64x128xf32, #tpu.memory_space<vmem>>, vector<1x16xf32>,
        %get3A_88 = vector.shape_cast %get3A_87 : vector<1x16xf32> to vector<16xf32>
        %mul3A_89 = arith.constant 4 : i32
        %mul3A_90 = arith.muli %mul3A_19, %mul3A_89 : i32
        %add3A_91 = arith.addi %mul3A_90, %scan3A_67 : i32
        %get3A_92 = arith.index_cast %add3A_91 : i32 to index
        %get3A_93 = arith.constant 48 : index
        %get3A_94 = tpu.vector_load %arg5[%get3A_92, %get3A_93] {strides = array<i32>} : memref<64x128xf32, #tpu.memory_space<vmem>>, vector<1x16xf32>,
        %get3A_95 = vector.shape_cast %get3A_94 : vector<1x16xf32> to vector<16xf32>
        %mul3A_96 = arith.constant 4 : i32
        %mul3A_97 = arith.muli %mul3A_19, %mul3A_96 : i32
        %add3A_98 = arith.addi %mul3A_97, %scan3A_67 : i32
        %get3A_99 = arith.index_cast %add3A_98 : i32 to index
        %get3A_100 = arith.constant 64 : index
        %get3A_101 = tpu.vector_load %arg5[%get3A_99, %get3A_100] {strides = array<i32>} : memref<64x128xf32, #tpu.memory_space<vmem>>, vector<1x16xf32>,
        %get3A_102 = vector.shape_cast %get3A_101 : vector<1x16xf32> to vector<16xf32>
        %mul3A_103 = arith.constant 4 : i32
        %mul3A_104 = arith.muli %mul3A_19, %mul3A_103 : i32
        %add3A_105 = arith.addi %mul3A_104, %scan3A_67 : i32
        %get3A_106 = arith.index_cast %add3A_105 : i32 to index
        %get3A_107 = arith.constant 80 : index
        %get3A_108 = tpu.vector_load %arg5[%get3A_106, %get3A_107] {strides = array<i32>} : memref<64x128xf32, #tpu.memory_space<vmem>>, vector<1x16xf32>,
        %get3A_109 = vector.shape_cast %get3A_108 : vector<1x16xf32> to vector<16xf32>
        %mul3A_110 = arith.constant 4 : i32
        %mul3A_111 = arith.muli %mul3A_19, %mul3A_110 : i32
        %add3A_112 = arith.addi %mul3A_111, %scan3A_67 : i32
        %get3A_113 = arith.index_cast %add3A_112 : i32 to index
        %get3A_114 = arith.constant 96 : index
        %get3A_115 = tpu.vector_load %arg5[%get3A_113, %get3A_114] {strides = array<i32>} : memref<64x128xf32, #tpu.memory_space<vmem>>, vector<1x16xf32>,
        %get3A_116 = vector.shape_cast %get3A_115 : vector<1x16xf32> to vector<16xf32>
        %mul3A_117 = arith.constant 4 : i32
        %mul3A_118 = arith.muli %mul3A_19, %mul3A_117 : i32
        %add3A_119 = arith.addi %mul3A_118, %scan3A_67 : i32
        %get3A_120 = arith.index_cast %add3A_119 : i32 to index
        %get3A_121 = arith.constant 112 : index
        %get3A_122 = tpu.vector_load %arg5[%get3A_120, %get3A_121] {strides = array<i32>} : memref<64x128xf32, #tpu.memory_space<vmem>>, vector<1x16xf32>,
        %get3A_123 = vector.shape_cast %get3A_122 : vector<1x16xf32> to vector<16xf32>
        %broadcast_in_dim3A = arith.constant 0.000000e+00 : f32
        %broadcast_in_dim3A_124 = vector.broadcast %broadcast_in_dim3A : f32 to vector<16xf32>
        %broadcast_in_dim3A_125 = arith.constant 0.000000e+00 : f32
        %broadcast_in_dim3A_126 = vector.broadcast %broadcast_in_dim3A_125 : f32 to vector<16xf32>
        %broadcast_in_dim3A_127 = arith.constant 0.000000e+00 : f32
        %broadcast_in_dim3A_128 = vector.broadcast %broadcast_in_dim3A_127 : f32 to vector<16xf32>
        %broadcast_in_dim3A_129 = arith.constant 0.000000e+00 : f32
        %broadcast_in_dim3A_130 = vector.broadcast %broadcast_in_dim3A_129 : f32 to vector<16xf32>
        %broadcast_in_dim3A_131 = arith.constant 0.000000e+00 : f32
        %broadcast_in_dim3A_132 = vector.broadcast %broadcast_in_dim3A_131 : f32 to vector<16xf32>
        %broadcast_in_dim3A_133 = arith.constant 0.000000e+00 : f32
        %broadcast_in_dim3A_134 = vector.broadcast %broadcast_in_dim3A_133 : f32 to vector<16xf32>
        %broadcast_in_dim3A_135 = arith.constant 0.000000e+00 : f32
        %broadcast_in_dim3A_136 = vector.broadcast %broadcast_in_dim3A_135 : f32 to vector<16xf32>
        %broadcast_in_dim3A_137 = arith.constant 0.000000e+00 : f32
        %broadcast_in_dim3A_138 = vector.broadcast %broadcast_in_dim3A_137 : f32 to vector<16xf32>
        %broadcast_in_dim3A_139 = arith.constant 0.000000e+00 : f32
        %broadcast_in_dim3A_140 = vector.broadcast %broadcast_in_dim3A_139 : f32 to vector<16xf32>
        %scan3A_141 = arith.constant 0 : i32
        %scan3A_142 = arith.constant 50 : i32
        %scan3A_143 = arith.addi %scan3A_141, %scan3A_142 : i32
        %scan3A_144 = arith.constant 1 : i32
        %scan3A_145:9 = scf.for %scan3A_197 = %scan3A_141 to %scan3A_143 step %scan3A_144 iter_args(%scan3A_198 = %broadcast_in_dim3A_124, %scan3A_199 = %broadcast_in_dim3A_126, %scan3A_200 = %broadcast_in_dim3A_128, %scan3A_201 = %broadcast_in_dim3A_130, %scan3A_202 = %broadcast_in_dim3A_132, %scan3A_203 = %broadcast_in_dim3A_134, %scan3A_204 = %broadcast_in_dim3A_136, %scan3A_205 = %broadcast_in_dim3A_138, %scan3A_206 = %broadcast_in_dim3A_140) -> (vector<16xf32>, vector<16xf32>, vector<16xf32>, vector<16xf32>, vector<16xf32>, vector<16xf32>, vector<16xf32>, vector<16xf32>, vector<16xf32>)  : i32 {
          %get3A_207 = arith.index_cast %scan3A_67 : i32 to index
          %get3A_208 = arith.index_cast %scan3A_197 : i32 to index
          %get3A_209 = arith.constant 0 : index
          %get3A_210 = tpu.vector_load %arg6[%get3A_207, %get3A_208, %get3A_209] {strides = array<i32>} : memref<4x50x128xf32, #tpu.memory_space<vmem>>, vector<1x1x16xf32>,
          %get3A_211 = vector.shape_cast %get3A_210 : vector<1x1x16xf32> to vector<16xf32>
          %get3A_212 = arith.index_cast %scan3A_67 : i32 to index
          %get3A_213 = arith.index_cast %scan3A_197 : i32 to index
          %get3A_214 = arith.constant 16 : index
          %get3A_215 = tpu.vector_load %arg6[%get3A_212, %get3A_213, %get3A_214] {strides = array<i32>} : memref<4x50x128xf32, #tpu.memory_space<vmem>>, vector<1x1x16xf32>,
          %get3A_216 = vector.shape_cast %get3A_215 : vector<1x1x16xf32> to vector<16xf32>
          %get3A_217 = arith.index_cast %scan3A_67 : i32 to index
          %get3A_218 = arith.index_cast %scan3A_197 : i32 to index
          %get3A_219 = arith.constant 32 : index
          %get3A_220 = tpu.vector_load %arg6[%get3A_217, %get3A_218, %get3A_219] {strides = array<i32>} : memref<4x50x128xf32, #tpu.memory_space<vmem>>, vector<1x1x16xf32>,
          %get3A_221 = vector.shape_cast %get3A_220 : vector<1x1x16xf32> to vector<16xf32>
          %get3A_222 = arith.index_cast %scan3A_67 : i32 to index
          %get3A_223 = arith.index_cast %scan3A_197 : i32 to index
          %get3A_224 = arith.constant 48 : index
          %get3A_225 = tpu.vector_load %arg6[%get3A_222, %get3A_223, %get3A_224] {strides = array<i32>} : memref<4x50x128xf32, #tpu.memory_space<vmem>>, vector<1x1x16xf32>,
          %get3A_226 = vector.shape_cast %get3A_225 : vector<1x1x16xf32> to vector<16xf32>
          %get3A_227 = arith.index_cast %scan3A_67 : i32 to index
          %get3A_228 = arith.index_cast %scan3A_197 : i32 to index
          %get3A_229 = arith.constant 64 : index
          %get3A_230 = tpu.vector_load %arg6[%get3A_227, %get3A_228, %get3A_229] {strides = array<i32>} : memref<4x50x128xf32, #tpu.memory_space<vmem>>, vector<1x1x16xf32>,
          %get3A_231 = vector.shape_cast %get3A_230 : vector<1x1x16xf32> to vector<16xf32>
          %get3A_232 = arith.index_cast %scan3A_67 : i32 to index
          %get3A_233 = arith.index_cast %scan3A_197 : i32 to index
          %get3A_234 = arith.constant 80 : index
          %get3A_235 = tpu.vector_load %arg6[%get3A_232, %get3A_233, %get3A_234] {strides = array<i32>} : memref<4x50x128xf32, #tpu.memory_space<vmem>>, vector<1x1x16xf32>,
          %get3A_236 = vector.shape_cast %get3A_235 : vector<1x1x16xf32> to vector<16xf32>
          %get3A_237 = arith.index_cast %scan3A_67 : i32 to index
          %get3A_238 = arith.index_cast %scan3A_197 : i32 to index
          %get3A_239 = arith.constant 96 : index
          %get3A_240 = tpu.vector_load %arg6[%get3A_237, %get3A_238, %get3A_239] {strides = array<i32>} : memref<4x50x128xf32, #tpu.memory_space<vmem>>, vector<1x1x16xf32>,
          %get3A_241 = vector.shape_cast %get3A_240 : vector<1x1x16xf32> to vector<16xf32>
          %get3A_242 = arith.index_cast %scan3A_67 : i32 to index
          %get3A_243 = arith.index_cast %scan3A_197 : i32 to index
          %get3A_244 = arith.constant 112 : index
          %get3A_245 = tpu.vector_load %arg6[%get3A_242, %get3A_243, %get3A_244] {strides = array<i32>} : memref<4x50x128xf32, #tpu.memory_space<vmem>>, vector<1x1x16xf32>,
          %get3A_246 = vector.shape_cast %get3A_245 : vector<1x1x16xf32> to vector<16xf32>
          %mul3A_247 = arith.mulf %get3A_211, %get3A_74 : vector<16xf32>
          %mul3A_248 = arith.mulf %get3A_216, %get3A_81 : vector<16xf32>
          %add3A_249 = arith.addf %mul3A_247, %mul3A_248 : vector<16xf32>
          %mul3A_250 = arith.mulf %get3A_221, %get3A_88 : vector<16xf32>
          %add3A_251 = arith.addf %add3A_249, %mul3A_250 : vector<16xf32>
          %mul3A_252 = arith.mulf %get3A_226, %get3A_95 : vector<16xf32>
          %add3A_253 = arith.addf %add3A_251, %mul3A_252 : vector<16xf32>
          %mul3A_254 = arith.mulf %get3A_231, %get3A_102 : vector<16xf32>
          %add3A_255 = arith.addf %add3A_253, %mul3A_254 : vector<16xf32>
          %mul3A_256 = arith.mulf %get3A_236, %get3A_109 : vector<16xf32>
          %add3A_257 = arith.addf %add3A_255, %mul3A_256 : vector<16xf32>
          %mul3A_258 = arith.mulf %get3A_241, %get3A_116 : vector<16xf32>
          %add3A_259 = arith.addf %add3A_257, %mul3A_258 : vector<16xf32>
          %mul3A_260 = arith.mulf %get3A_246, %get3A_123 : vector<16xf32>
          %add3A_261 = arith.addf %add3A_259, %mul3A_260 : vector<16xf32>
          %iota3A = tpu.iota {dimensions = array<i32: 0>} : vector<16xi32>
          %xor3A = arith.constant 1 : i32
          %xor3A_262 = vector.broadcast %xor3A : i32 to vector<16xi32>
          %xor3A_263 = arith.xori %iota3A, %xor3A_262 : vector<16xi32>
          %broadcast_in_dim3A_264 = vector.shape_cast %xor3A_263 : vector<16xi32> to vector<16x1xi32>
          %gather3A = vector.shape_cast %broadcast_in_dim3A_264 : vector<16x1xi32> to vector<16xi32>
          %gather3A_265 = tpu.dynamic_gather %add3A_261[%gather3A] in [0] : vector<16xf32>, vector<16xi32> -> vector<16xf32>
          %add3A_266 = arith.addf %add3A_261, %gather3A_265 : vector<16xf32>
          %xor3A_267 = arith.constant 2 : i32
          %xor3A_268 = vector.broadcast %xor3A_267 : i32 to vector<16xi32>
          %xor3A_269 = arith.xori %iota3A, %xor3A_268 : vector<16xi32>
          %broadcast_in_dim3A_270 = vector.shape_cast %xor3A_269 : vector<16xi32> to vector<16x1xi32>
          %gather3A_271 = vector.shape_cast %broadcast_in_dim3A_270 : vector<16x1xi32> to vector<16xi32>
          %gather3A_272 = tpu.dynamic_gather %add3A_266[%gather3A_271] in [0] : vector<16xf32>, vector<16xi32> -> vector<16xf32>
          %add3A_273 = arith.addf %add3A_266, %gather3A_272 : vector<16xf32>
          %xor3A_274 = arith.constant 4 : i32
          %xor3A_275 = vector.broadcast %xor3A_274 : i32 to vector<16xi32>
          %xor3A_276 = arith.xori %iota3A, %xor3A_275 : vector<16xi32>
          %broadcast_in_dim3A_277 = vector.shape_cast %xor3A_276 : vector<16xi32> to vector<16x1xi32>
          %gather3A_278 = vector.shape_cast %broadcast_in_dim3A_277 : vector<16x1xi32> to vector<16xi32>
          %gather3A_279 = tpu.dynamic_gather %add3A_273[%gather3A_278] in [0] : vector<16xf32>, vector<16xi32> -> vector<16xf32>
          %add3A_280 = arith.addf %add3A_273, %gather3A_279 : vector<16xf32>
          %xor3A_281 = arith.constant 8 : i32
          %xor3A_282 = vector.broadcast %xor3A_281 : i32 to vector<16xi32>
          %xor3A_283 = arith.xori %iota3A, %xor3A_282 : vector<16xi32>
          %broadcast_in_dim3A_284 = vector.shape_cast %xor3A_283 : vector<16xi32> to vector<16x1xi32>
          %gather3A_285 = vector.shape_cast %broadcast_in_dim3A_284 : vector<16x1xi32> to vector<16xi32>
          %gather3A_286 = tpu.dynamic_gather %add3A_280[%gather3A_285] in [0] : vector<16xf32>, vector<16xi32> -> vector<16xf32>
          %add3A_287 = arith.addf %add3A_280, %gather3A_286 : vector<16xf32>
          %exp3A = math.exp %add3A_287 : vector<16xf32>
          %add3A_288 = arith.addf %scan3A_198, %exp3A : vector<16xf32>
          %mul3A_289 = arith.mulf %exp3A, %get3A_211 : vector<16xf32>
          %add3A_290 = arith.addf %scan3A_199, %mul3A_289 : vector<16xf32>
          %mul3A_291 = arith.mulf %exp3A, %get3A_216 : vector<16xf32>
          %add3A_292 = arith.addf %scan3A_200, %mul3A_291 : vector<16xf32>
          %mul3A_293 = arith.mulf %exp3A, %get3A_221 : vector<16xf32>
          %add3A_294 = arith.addf %scan3A_201, %mul3A_293 : vector<16xf32>
          %mul3A_295 = arith.mulf %exp3A, %get3A_226 : vector<16xf32>
          %add3A_296 = arith.addf %scan3A_202, %mul3A_295 : vector<16xf32>
          %mul3A_297 = arith.mulf %exp3A, %get3A_231 : vector<16xf32>
          %add3A_298 = arith.addf %scan3A_203, %mul3A_297 : vector<16xf32>
          %mul3A_299 = arith.mulf %exp3A, %get3A_236 : vector<16xf32>
          %add3A_300 = arith.addf %scan3A_204, %mul3A_299 : vector<16xf32>
          %mul3A_301 = arith.mulf %exp3A, %get3A_241 : vector<16xf32>
          %add3A_302 = arith.addf %scan3A_205, %mul3A_301 : vector<16xf32>
          %mul3A_303 = arith.mulf %exp3A, %get3A_246 : vector<16xf32>
          %add3A_304 = arith.addf %scan3A_206, %mul3A_303 : vector<16xf32>
          scf.yield %add3A_288, %add3A_290, %add3A_292, %add3A_294, %add3A_296, %add3A_298, %add3A_300, %add3A_302, %add3A_304 : vector<16xf32>, vector<16xf32>, vector<16xf32>, vector<16xf32>, vector<16xf32>, vector<16xf32>, vector<16xf32>, vector<16xf32>, vector<16xf32>
        }
        %scan3A_146 = arith.constant 50 : i32
        %div3A = arith.constant 1.000000e+00 : f32
        %div3A_147 = vector.broadcast %div3A : f32 to vector<16xf32>
        %div3A_148 = arith.divf %div3A_147, %scan3A_145#0 : vector<16xf32>
        %mul3A_149 = arith.mulf %scan3A_145#1, %div3A_148 : vector<16xf32>
        %swap3A = arith.index_cast %scan3A_67 : i32 to index
        %swap3A_150 = arith.constant 0 : index
        %swap3A_151 = tpu.vector_load %arg8[%swap3A, %swap3A_150] {strides = array<i32>} : memref<4x128xf32, #tpu.memory_space<vmem>>, vector<1x16xf32>,
        %swap3A_152 = vector.shape_cast %swap3A_151 : vector<1x16xf32> to vector<16xf32>
        %swap3A_153 = vector.shape_cast %mul3A_149 : vector<16xf32> to vector<1x16xf32>
        tpu.vector_store %arg8[%swap3A, %swap3A_150], %swap3A_153 {strides = array<i32>} : memref<4x128xf32, #tpu.memory_space<vmem>>, vector<1x16xf32>,
        %mul3A_154 = arith.mulf %scan3A_145#2, %div3A_148 : vector<16xf32>
        %swap3A_155 = arith.index_cast %scan3A_67 : i32 to index
        %swap3A_156 = arith.constant 16 : index
        %swap3A_157 = tpu.vector_load %arg8[%swap3A_155, %swap3A_156] {strides = array<i32>} : memref<4x128xf32, #tpu.memory_space<vmem>>, vector<1x16xf32>,
        %swap3A_158 = vector.shape_cast %swap3A_157 : vector<1x16xf32> to vector<16xf32>
        %swap3A_159 = vector.shape_cast %mul3A_154 : vector<16xf32> to vector<1x16xf32>
        tpu.vector_store %arg8[%swap3A_155, %swap3A_156], %swap3A_159 {strides = array<i32>} : memref<4x128xf32, #tpu.memory_space<vmem>>, vector<1x16xf32>,
        %mul3A_160 = arith.mulf %scan3A_145#3, %div3A_148 : vector<16xf32>
        %swap3A_161 = arith.index_cast %scan3A_67 : i32 to index
        %swap3A_162 = arith.constant 32 : index
        %swap3A_163 = tpu.vector_load %arg8[%swap3A_161, %swap3A_162] {strides = array<i32>} : memref<4x128xf32, #tpu.memory_space<vmem>>, vector<1x16xf32>,
        %swap3A_164 = vector.shape_cast %swap3A_163 : vector<1x16xf32> to vector<16xf32>
        %swap3A_165 = vector.shape_cast %mul3A_160 : vector<16xf32> to vector<1x16xf32>
        tpu.vector_store %arg8[%swap3A_161, %swap3A_162], %swap3A_165 {strides = array<i32>} : memref<4x128xf32, #tpu.memory_space<vmem>>, vector<1x16xf32>,
        %mul3A_166 = arith.mulf %scan3A_145#4, %div3A_148 : vector<16xf32>
        %swap3A_167 = arith.index_cast %scan3A_67 : i32 to index
        %swap3A_168 = arith.constant 48 : index
        %swap3A_169 = tpu.vector_load %arg8[%swap3A_167, %swap3A_168] {strides = array<i32>} : memref<4x128xf32, #tpu.memory_space<vmem>>, vector<1x16xf32>,
        %swap3A_170 = vector.shape_cast %swap3A_169 : vector<1x16xf32> to vector<16xf32>
        %swap3A_171 = vector.shape_cast %mul3A_166 : vector<16xf32> to vector<1x16xf32>
        tpu.vector_store %arg8[%swap3A_167, %swap3A_168], %swap3A_171 {strides = array<i32>} : memref<4x128xf32, #tpu.memory_space<vmem>>, vector<1x16xf32>,
        %mul3A_172 = arith.mulf %scan3A_145#5, %div3A_148 : vector<16xf32>
        %swap3A_173 = arith.index_cast %scan3A_67 : i32 to index
        %swap3A_174 = arith.constant 64 : index
        %swap3A_175 = tpu.vector_load %arg8[%swap3A_173, %swap3A_174] {strides = array<i32>} : memref<4x128xf32, #tpu.memory_space<vmem>>, vector<1x16xf32>,
        %swap3A_176 = vector.shape_cast %swap3A_175 : vector<1x16xf32> to vector<16xf32>
        %swap3A_177 = vector.shape_cast %mul3A_172 : vector<16xf32> to vector<1x16xf32>
        tpu.vector_store %arg8[%swap3A_173, %swap3A_174], %swap3A_177 {strides = array<i32>} : memref<4x128xf32, #tpu.memory_space<vmem>>, vector<1x16xf32>,
        %mul3A_178 = arith.mulf %scan3A_145#6, %div3A_148 : vector<16xf32>
        %swap3A_179 = arith.index_cast %scan3A_67 : i32 to index
        %swap3A_180 = arith.constant 80 : index
        %swap3A_181 = tpu.vector_load %arg8[%swap3A_179, %swap3A_180] {strides = array<i32>} : memref<4x128xf32, #tpu.memory_space<vmem>>, vector<1x16xf32>,
        %swap3A_182 = vector.shape_cast %swap3A_181 : vector<1x16xf32> to vector<16xf32>
        %swap3A_183 = vector.shape_cast %mul3A_178 : vector<16xf32> to vector<1x16xf32>
        tpu.vector_store %arg8[%swap3A_179, %swap3A_180], %swap3A_183 {strides = array<i32>} : memref<4x128xf32, #tpu.memory_space<vmem>>, vector<1x16xf32>,
        %mul3A_184 = arith.mulf %scan3A_145#7, %div3A_148 : vector<16xf32>
        %swap3A_185 = arith.index_cast %scan3A_67 : i32 to index
        %swap3A_186 = arith.constant 96 : index
        %swap3A_187 = tpu.vector_load %arg8[%swap3A_185, %swap3A_186] {strides = array<i32>} : memref<4x128xf32, #tpu.memory_space<vmem>>, vector<1x16xf32>,
        %swap3A_188 = vector.shape_cast %swap3A_187 : vector<1x16xf32> to vector<16xf32>
        %swap3A_189 = vector.shape_cast %mul3A_184 : vector<16xf32> to vector<1x16xf32>
        tpu.vector_store %arg8[%swap3A_185, %swap3A_186], %swap3A_189 {strides = array<i32>} : memref<4x128xf32, #tpu.memory_space<vmem>>, vector<1x16xf32>,
        %mul3A_190 = arith.mulf %scan3A_145#8, %div3A_148 : vector<16xf32>
        %swap3A_191 = arith.index_cast %scan3A_67 : i32 to index
        %swap3A_192 = arith.constant 112 : index
        %swap3A_193 = tpu.vector_load %arg8[%swap3A_191, %swap3A_192] {strides = array<i32>} : memref<4x128xf32, #tpu.memory_space<vmem>>, vector<1x16xf32>,
        %swap3A_194 = vector.shape_cast %swap3A_193 : vector<1x16xf32> to vector<16xf32>
        %swap3A_195 = vector.shape_cast %mul3A_190 : vector<16xf32> to vector<1x16xf32>
        tpu.vector_store %arg8[%swap3A_191, %swap3A_192], %swap3A_195 {strides = array<i32>} : memref<4x128xf32, #tpu.memory_space<vmem>>, vector<1x16xf32>,
        %scan3A_196 = arith.constant 0 : i32
        scf.yield %scan3A_196 : i32
      }
      %scan3A_42 = arith.constant 4 : i32
      %mul3A_43 = arith.constant 4 : i32
      %mul3A_44 = arith.muli %mul3A_19, %mul3A_43 : i32
      %add3A_45 = arith.addi %mul3A_2, %mul3A_44 : i32
      "tpu.region"() ({
        %run_scoped3A = tpu.sem_alloc : memref<!tpu.dma_semaphore, #tpu.memory_space<semaphore_mem>>
        %dma_start3A_67 = arith.constant 0 : i32
        %dma_start3A_68 = tpu.memref_slice %arg4[%add3A_45, %dma_start3A_67] : memref<2048x128xf32, #tpu.memory_space<hbm>> -> memref<4x128xf32, #tpu.memory_space<hbm>>
        %dma_start3A_69 = arith.constant 0 : i32
        %dma_start3A_70 = tpu.memref_slice %arg4[%add3A_45, %dma_start3A_69] : memref<2048x128xf32, #tpu.memory_space<hbm>> -> memref<4x128xf32, #tpu.memory_space<hbm>>
        tpu.enqueue_dma source(%arg8 : memref<4x128xf32, #tpu.memory_space<vmem>>) target(%dma_start3A_70 : memref<4x128xf32, #tpu.memory_space<hbm>>) target_semaphore(%run_scoped3A : memref<!tpu.dma_semaphore, #tpu.memory_space<semaphore_mem>>)
        %dma_wait3A_71 = arith.constant 0 : i32
        %dma_wait3A_72 = tpu.memref_slice %arg4[%add3A_45, %dma_wait3A_71] : memref<2048x128xf32, #tpu.memory_space<hbm>> -> memref<4x128xf32, #tpu.memory_space<hbm>>
        %dma_wait3A_73 = arith.constant 0 : i32
        %dma_wait3A_74 = tpu.memref_slice %arg4[%add3A_45, %dma_wait3A_73] : memref<2048x128xf32, #tpu.memory_space<hbm>> -> memref<4x128xf32, #tpu.memory_space<hbm>>
        tpu.wait_dma2 semaphore(%run_scoped3A : memref<!tpu.dma_semaphore, #tpu.memory_space<semaphore_mem>>) src(%arg8 : memref<4x128xf32, #tpu.memory_space<vmem>>) dst(%dma_wait3A_74 : memref<4x128xf32, #tpu.memory_space<hbm>>)
        tpu.yield
      }) : () -> ()
      %lt3A = arith.constant 7 : i32
      %lt3A_46 = arith.cmpi slt, %scan3A_16, %lt3A : i32
      %convert_element_type3A = arith.extui %lt3A_46 : i1 to i32
      %cond3A = arith.constant 0 : i32
      %cond3A_47 = arith.cmpi ne, %convert_element_type3A, %cond3A : i32
      scf.if %cond3A_47 {
        %add3A_67 = arith.constant 8 : i32
        %add3A_68 = arith.addi %add3A_22, %add3A_67 : i32
        %dma_start3A_69 = arith.constant 0 : i32
        %dma_start3A_70 = arith.constant 0 : i32
        %dma_start3A_71 = tpu.memref_slice %arg3[%add3A_68, %dma_start3A_69, %dma_start3A_70] : memref<4096x50x128xf32, #tpu.memory_space<hbm>> -> memref<4x50x128xf32, #tpu.memory_space<hbm>>
        %dma_start3A_72 = arith.constant 0 : i32
        %dma_start3A_73 = arith.constant 0 : i32
        %dma_start3A_74 = tpu.memref_slice %arg3[%add3A_68, %dma_start3A_72, %dma_start3A_73] : memref<4096x50x128xf32, #tpu.memory_space<hbm>> -> memref<4x50x128xf32, #tpu.memory_space<hbm>>
        tpu.enqueue_dma source(%dma_start3A_74 : memref<4x50x128xf32, #tpu.memory_space<hbm>>) target(%arg6 : memref<4x50x128xf32, #tpu.memory_space<vmem>>) target_semaphore(%arg9 : memref<!tpu.dma_semaphore, #tpu.memory_space<semaphore_mem>>)
      } else {
      }
      %dma_wait3A_48 = arith.constant 0 : i32
      %dma_wait3A_49 = arith.constant 0 : i32
      %dma_wait3A_50 = tpu.memref_slice %arg3[%add3A_24, %dma_wait3A_48, %dma_wait3A_49] : memref<4096x50x128xf32, #tpu.memory_space<hbm>> -> memref<4x50x128xf32, #tpu.memory_space<hbm>>
      %dma_wait3A_51 = arith.constant 0 : i32
      %dma_wait3A_52 = arith.constant 0 : i32
      %dma_wait3A_53 = tpu.memref_slice %arg3[%add3A_24, %dma_wait3A_51, %dma_wait3A_52] : memref<4096x50x128xf32, #tpu.memory_space<hbm>> -> memref<4x50x128xf32, #tpu.memory_space<hbm>>
      tpu.wait_dma2 semaphore(%arg10 : memref<!tpu.dma_semaphore, #tpu.memory_space<semaphore_mem>>) src(%dma_wait3A_53 : memref<4x50x128xf32, #tpu.memory_space<hbm>>) dst(%arg7 : memref<4x50x128xf32, #tpu.memory_space<vmem>>)
      %add3A_54 = arith.constant 1 : i32
      %add3A_55 = arith.addi %mul3A_19, %add3A_54 : i32
      %scan3A_56 = arith.constant 0 : i32
      %scan3A_57 = arith.constant 0 : i32
      %scan3A_58 = arith.constant 4 : i32
      %scan3A_59 = arith.addi %scan3A_57, %scan3A_58 : i32
      %scan3A_60 = arith.constant 1 : i32
      %scan3A_61 = scf.for %scan3A_67 = %scan3A_57 to %scan3A_59 step %scan3A_60 iter_args(%scan3A_68 = %scan3A_56) -> (i32)  : i32 {
        %mul3A_69 = arith.constant 4 : i32
        %mul3A_70 = arith.muli %add3A_55, %mul3A_69 : i32
        %add3A_71 = arith.addi %mul3A_70, %scan3A_67 : i32
        %get3A = arith.index_cast %add3A_71 : i32 to index
        %get3A_72 = arith.constant 0 : index
        %get3A_73 = tpu.vector_load %arg5[%get3A, %get3A_72] {strides = array<i32>} : memref<64x128xf32, #tpu.memory_space<vmem>>, vector<1x16xf32>,
        %get3A_74 = vector.shape_cast %get3A_73 : vector<1x16xf32> to vector<16xf32>
        %mul3A_75 = arith.constant 4 : i32
        %mul3A_76 = arith.muli %add3A_55, %mul3A_75 : i32
        %add3A_77 = arith.addi %mul3A_76, %scan3A_67 : i32
        %get3A_78 = arith.index_cast %add3A_77 : i32 to index
        %get3A_79 = arith.constant 16 : index
        %get3A_80 = tpu.vector_load %arg5[%get3A_78, %get3A_79] {strides = array<i32>} : memref<64x128xf32, #tpu.memory_space<vmem>>, vector<1x16xf32>,
        %get3A_81 = vector.shape_cast %get3A_80 : vector<1x16xf32> to vector<16xf32>
        %mul3A_82 = arith.constant 4 : i32
        %mul3A_83 = arith.muli %add3A_55, %mul3A_82 : i32
        %add3A_84 = arith.addi %mul3A_83, %scan3A_67 : i32
        %get3A_85 = arith.index_cast %add3A_84 : i32 to index
        %get3A_86 = arith.constant 32 : index
        %get3A_87 = tpu.vector_load %arg5[%get3A_85, %get3A_86] {strides = array<i32>} : memref<64x128xf32, #tpu.memory_space<vmem>>, vector<1x16xf32>,
        %get3A_88 = vector.shape_cast %get3A_87 : vector<1x16xf32> to vector<16xf32>
        %mul3A_89 = arith.constant 4 : i32
        %mul3A_90 = arith.muli %add3A_55, %mul3A_89 : i32
        %add3A_91 = arith.addi %mul3A_90, %scan3A_67 : i32
        %get3A_92 = arith.index_cast %add3A_91 : i32 to index
        %get3A_93 = arith.constant 48 : index
        %get3A_94 = tpu.vector_load %arg5[%get3A_92, %get3A_93] {strides = array<i32>} : memref<64x128xf32, #tpu.memory_space<vmem>>, vector<1x16xf32>,
        %get3A_95 = vector.shape_cast %get3A_94 : vector<1x16xf32> to vector<16xf32>
        %mul3A_96 = arith.constant 4 : i32
        %mul3A_97 = arith.muli %add3A_55, %mul3A_96 : i32
        %add3A_98 = arith.addi %mul3A_97, %scan3A_67 : i32
        %get3A_99 = arith.index_cast %add3A_98 : i32 to index
        %get3A_100 = arith.constant 64 : index
        %get3A_101 = tpu.vector_load %arg5[%get3A_99, %get3A_100] {strides = array<i32>} : memref<64x128xf32, #tpu.memory_space<vmem>>, vector<1x16xf32>,
        %get3A_102 = vector.shape_cast %get3A_101 : vector<1x16xf32> to vector<16xf32>
        %mul3A_103 = arith.constant 4 : i32
        %mul3A_104 = arith.muli %add3A_55, %mul3A_103 : i32
        %add3A_105 = arith.addi %mul3A_104, %scan3A_67 : i32
        %get3A_106 = arith.index_cast %add3A_105 : i32 to index
        %get3A_107 = arith.constant 80 : index
        %get3A_108 = tpu.vector_load %arg5[%get3A_106, %get3A_107] {strides = array<i32>} : memref<64x128xf32, #tpu.memory_space<vmem>>, vector<1x16xf32>,
        %get3A_109 = vector.shape_cast %get3A_108 : vector<1x16xf32> to vector<16xf32>
        %mul3A_110 = arith.constant 4 : i32
        %mul3A_111 = arith.muli %add3A_55, %mul3A_110 : i32
        %add3A_112 = arith.addi %mul3A_111, %scan3A_67 : i32
        %get3A_113 = arith.index_cast %add3A_112 : i32 to index
        %get3A_114 = arith.constant 96 : index
        %get3A_115 = tpu.vector_load %arg5[%get3A_113, %get3A_114] {strides = array<i32>} : memref<64x128xf32, #tpu.memory_space<vmem>>, vector<1x16xf32>,
        %get3A_116 = vector.shape_cast %get3A_115 : vector<1x16xf32> to vector<16xf32>
        %mul3A_117 = arith.constant 4 : i32
        %mul3A_118 = arith.muli %add3A_55, %mul3A_117 : i32
        %add3A_119 = arith.addi %mul3A_118, %scan3A_67 : i32
        %get3A_120 = arith.index_cast %add3A_119 : i32 to index
        %get3A_121 = arith.constant 112 : index
        %get3A_122 = tpu.vector_load %arg5[%get3A_120, %get3A_121] {strides = array<i32>} : memref<64x128xf32, #tpu.memory_space<vmem>>, vector<1x16xf32>,
        %get3A_123 = vector.shape_cast %get3A_122 : vector<1x16xf32> to vector<16xf32>
        %broadcast_in_dim3A = arith.constant 0.000000e+00 : f32
        %broadcast_in_dim3A_124 = vector.broadcast %broadcast_in_dim3A : f32 to vector<16xf32>
        %broadcast_in_dim3A_125 = arith.constant 0.000000e+00 : f32
        %broadcast_in_dim3A_126 = vector.broadcast %broadcast_in_dim3A_125 : f32 to vector<16xf32>
        %broadcast_in_dim3A_127 = arith.constant 0.000000e+00 : f32
        %broadcast_in_dim3A_128 = vector.broadcast %broadcast_in_dim3A_127 : f32 to vector<16xf32>
        %broadcast_in_dim3A_129 = arith.constant 0.000000e+00 : f32
        %broadcast_in_dim3A_130 = vector.broadcast %broadcast_in_dim3A_129 : f32 to vector<16xf32>
        %broadcast_in_dim3A_131 = arith.constant 0.000000e+00 : f32
        %broadcast_in_dim3A_132 = vector.broadcast %broadcast_in_dim3A_131 : f32 to vector<16xf32>
        %broadcast_in_dim3A_133 = arith.constant 0.000000e+00 : f32
        %broadcast_in_dim3A_134 = vector.broadcast %broadcast_in_dim3A_133 : f32 to vector<16xf32>
        %broadcast_in_dim3A_135 = arith.constant 0.000000e+00 : f32
        %broadcast_in_dim3A_136 = vector.broadcast %broadcast_in_dim3A_135 : f32 to vector<16xf32>
        %broadcast_in_dim3A_137 = arith.constant 0.000000e+00 : f32
        %broadcast_in_dim3A_138 = vector.broadcast %broadcast_in_dim3A_137 : f32 to vector<16xf32>
        %broadcast_in_dim3A_139 = arith.constant 0.000000e+00 : f32
        %broadcast_in_dim3A_140 = vector.broadcast %broadcast_in_dim3A_139 : f32 to vector<16xf32>
        %scan3A_141 = arith.constant 0 : i32
        %scan3A_142 = arith.constant 50 : i32
        %scan3A_143 = arith.addi %scan3A_141, %scan3A_142 : i32
        %scan3A_144 = arith.constant 1 : i32
        %scan3A_145:9 = scf.for %scan3A_197 = %scan3A_141 to %scan3A_143 step %scan3A_144 iter_args(%scan3A_198 = %broadcast_in_dim3A_124, %scan3A_199 = %broadcast_in_dim3A_126, %scan3A_200 = %broadcast_in_dim3A_128, %scan3A_201 = %broadcast_in_dim3A_130, %scan3A_202 = %broadcast_in_dim3A_132, %scan3A_203 = %broadcast_in_dim3A_134, %scan3A_204 = %broadcast_in_dim3A_136, %scan3A_205 = %broadcast_in_dim3A_138, %scan3A_206 = %broadcast_in_dim3A_140) -> (vector<16xf32>, vector<16xf32>, vector<16xf32>, vector<16xf32>, vector<16xf32>, vector<16xf32>, vector<16xf32>, vector<16xf32>, vector<16xf32>)  : i32 {
          %get3A_207 = arith.index_cast %scan3A_67 : i32 to index
          %get3A_208 = arith.index_cast %scan3A_197 : i32 to index
          %get3A_209 = arith.constant 0 : index
          %get3A_210 = tpu.vector_load %arg7[%get3A_207, %get3A_208, %get3A_209] {strides = array<i32>} : memref<4x50x128xf32, #tpu.memory_space<vmem>>, vector<1x1x16xf32>,
          %get3A_211 = vector.shape_cast %get3A_210 : vector<1x1x16xf32> to vector<16xf32>
          %get3A_212 = arith.index_cast %scan3A_67 : i32 to index
          %get3A_213 = arith.index_cast %scan3A_197 : i32 to index
          %get3A_214 = arith.constant 16 : index
          %get3A_215 = tpu.vector_load %arg7[%get3A_212, %get3A_213, %get3A_214] {strides = array<i32>} : memref<4x50x128xf32, #tpu.memory_space<vmem>>, vector<1x1x16xf32>,
          %get3A_216 = vector.shape_cast %get3A_215 : vector<1x1x16xf32> to vector<16xf32>
          %get3A_217 = arith.index_cast %scan3A_67 : i32 to index
          %get3A_218 = arith.index_cast %scan3A_197 : i32 to index
          %get3A_219 = arith.constant 32 : index
          %get3A_220 = tpu.vector_load %arg7[%get3A_217, %get3A_218, %get3A_219] {strides = array<i32>} : memref<4x50x128xf32, #tpu.memory_space<vmem>>, vector<1x1x16xf32>,
          %get3A_221 = vector.shape_cast %get3A_220 : vector<1x1x16xf32> to vector<16xf32>
          %get3A_222 = arith.index_cast %scan3A_67 : i32 to index
          %get3A_223 = arith.index_cast %scan3A_197 : i32 to index
          %get3A_224 = arith.constant 48 : index
          %get3A_225 = tpu.vector_load %arg7[%get3A_222, %get3A_223, %get3A_224] {strides = array<i32>} : memref<4x50x128xf32, #tpu.memory_space<vmem>>, vector<1x1x16xf32>,
          %get3A_226 = vector.shape_cast %get3A_225 : vector<1x1x16xf32> to vector<16xf32>
          %get3A_227 = arith.index_cast %scan3A_67 : i32 to index
          %get3A_228 = arith.index_cast %scan3A_197 : i32 to index
          %get3A_229 = arith.constant 64 : index
          %get3A_230 = tpu.vector_load %arg7[%get3A_227, %get3A_228, %get3A_229] {strides = array<i32>} : memref<4x50x128xf32, #tpu.memory_space<vmem>>, vector<1x1x16xf32>,
          %get3A_231 = vector.shape_cast %get3A_230 : vector<1x1x16xf32> to vector<16xf32>
          %get3A_232 = arith.index_cast %scan3A_67 : i32 to index
          %get3A_233 = arith.index_cast %scan3A_197 : i32 to index
          %get3A_234 = arith.constant 80 : index
          %get3A_235 = tpu.vector_load %arg7[%get3A_232, %get3A_233, %get3A_234] {strides = array<i32>} : memref<4x50x128xf32, #tpu.memory_space<vmem>>, vector<1x1x16xf32>,
          %get3A_236 = vector.shape_cast %get3A_235 : vector<1x1x16xf32> to vector<16xf32>
          %get3A_237 = arith.index_cast %scan3A_67 : i32 to index
          %get3A_238 = arith.index_cast %scan3A_197 : i32 to index
          %get3A_239 = arith.constant 96 : index
          %get3A_240 = tpu.vector_load %arg7[%get3A_237, %get3A_238, %get3A_239] {strides = array<i32>} : memref<4x50x128xf32, #tpu.memory_space<vmem>>, vector<1x1x16xf32>,
          %get3A_241 = vector.shape_cast %get3A_240 : vector<1x1x16xf32> to vector<16xf32>
          %get3A_242 = arith.index_cast %scan3A_67 : i32 to index
          %get3A_243 = arith.index_cast %scan3A_197 : i32 to index
          %get3A_244 = arith.constant 112 : index
          %get3A_245 = tpu.vector_load %arg7[%get3A_242, %get3A_243, %get3A_244] {strides = array<i32>} : memref<4x50x128xf32, #tpu.memory_space<vmem>>, vector<1x1x16xf32>,
          %get3A_246 = vector.shape_cast %get3A_245 : vector<1x1x16xf32> to vector<16xf32>
          %mul3A_247 = arith.mulf %get3A_211, %get3A_74 : vector<16xf32>
          %mul3A_248 = arith.mulf %get3A_216, %get3A_81 : vector<16xf32>
          %add3A_249 = arith.addf %mul3A_247, %mul3A_248 : vector<16xf32>
          %mul3A_250 = arith.mulf %get3A_221, %get3A_88 : vector<16xf32>
          %add3A_251 = arith.addf %add3A_249, %mul3A_250 : vector<16xf32>
          %mul3A_252 = arith.mulf %get3A_226, %get3A_95 : vector<16xf32>
          %add3A_253 = arith.addf %add3A_251, %mul3A_252 : vector<16xf32>
          %mul3A_254 = arith.mulf %get3A_231, %get3A_102 : vector<16xf32>
          %add3A_255 = arith.addf %add3A_253, %mul3A_254 : vector<16xf32>
          %mul3A_256 = arith.mulf %get3A_236, %get3A_109 : vector<16xf32>
          %add3A_257 = arith.addf %add3A_255, %mul3A_256 : vector<16xf32>
          %mul3A_258 = arith.mulf %get3A_241, %get3A_116 : vector<16xf32>
          %add3A_259 = arith.addf %add3A_257, %mul3A_258 : vector<16xf32>
          %mul3A_260 = arith.mulf %get3A_246, %get3A_123 : vector<16xf32>
          %add3A_261 = arith.addf %add3A_259, %mul3A_260 : vector<16xf32>
          %iota3A = tpu.iota {dimensions = array<i32: 0>} : vector<16xi32>
          %xor3A = arith.constant 1 : i32
          %xor3A_262 = vector.broadcast %xor3A : i32 to vector<16xi32>
          %xor3A_263 = arith.xori %iota3A, %xor3A_262 : vector<16xi32>
          %broadcast_in_dim3A_264 = vector.shape_cast %xor3A_263 : vector<16xi32> to vector<16x1xi32>
          %gather3A = vector.shape_cast %broadcast_in_dim3A_264 : vector<16x1xi32> to vector<16xi32>
          %gather3A_265 = tpu.dynamic_gather %add3A_261[%gather3A] in [0] : vector<16xf32>, vector<16xi32> -> vector<16xf32>
          %add3A_266 = arith.addf %add3A_261, %gather3A_265 : vector<16xf32>
          %xor3A_267 = arith.constant 2 : i32
          %xor3A_268 = vector.broadcast %xor3A_267 : i32 to vector<16xi32>
          %xor3A_269 = arith.xori %iota3A, %xor3A_268 : vector<16xi32>
          %broadcast_in_dim3A_270 = vector.shape_cast %xor3A_269 : vector<16xi32> to vector<16x1xi32>
          %gather3A_271 = vector.shape_cast %broadcast_in_dim3A_270 : vector<16x1xi32> to vector<16xi32>
          %gather3A_272 = tpu.dynamic_gather %add3A_266[%gather3A_271] in [0] : vector<16xf32>, vector<16xi32> -> vector<16xf32>
          %add3A_273 = arith.addf %add3A_266, %gather3A_272 : vector<16xf32>
          %xor3A_274 = arith.constant 4 : i32
          %xor3A_275 = vector.broadcast %xor3A_274 : i32 to vector<16xi32>
          %xor3A_276 = arith.xori %iota3A, %xor3A_275 : vector<16xi32>
          %broadcast_in_dim3A_277 = vector.shape_cast %xor3A_276 : vector<16xi32> to vector<16x1xi32>
          %gather3A_278 = vector.shape_cast %broadcast_in_dim3A_277 : vector<16x1xi32> to vector<16xi32>
          %gather3A_279 = tpu.dynamic_gather %add3A_273[%gather3A_278] in [0] : vector<16xf32>, vector<16xi32> -> vector<16xf32>
          %add3A_280 = arith.addf %add3A_273, %gather3A_279 : vector<16xf32>
          %xor3A_281 = arith.constant 8 : i32
          %xor3A_282 = vector.broadcast %xor3A_281 : i32 to vector<16xi32>
          %xor3A_283 = arith.xori %iota3A, %xor3A_282 : vector<16xi32>
          %broadcast_in_dim3A_284 = vector.shape_cast %xor3A_283 : vector<16xi32> to vector<16x1xi32>
          %gather3A_285 = vector.shape_cast %broadcast_in_dim3A_284 : vector<16x1xi32> to vector<16xi32>
          %gather3A_286 = tpu.dynamic_gather %add3A_280[%gather3A_285] in [0] : vector<16xf32>, vector<16xi32> -> vector<16xf32>
          %add3A_287 = arith.addf %add3A_280, %gather3A_286 : vector<16xf32>
          %exp3A = math.exp %add3A_287 : vector<16xf32>
          %add3A_288 = arith.addf %scan3A_198, %exp3A : vector<16xf32>
          %mul3A_289 = arith.mulf %exp3A, %get3A_211 : vector<16xf32>
          %add3A_290 = arith.addf %scan3A_199, %mul3A_289 : vector<16xf32>
          %mul3A_291 = arith.mulf %exp3A, %get3A_216 : vector<16xf32>
          %add3A_292 = arith.addf %scan3A_200, %mul3A_291 : vector<16xf32>
          %mul3A_293 = arith.mulf %exp3A, %get3A_221 : vector<16xf32>
          %add3A_294 = arith.addf %scan3A_201, %mul3A_293 : vector<16xf32>
          %mul3A_295 = arith.mulf %exp3A, %get3A_226 : vector<16xf32>
          %add3A_296 = arith.addf %scan3A_202, %mul3A_295 : vector<16xf32>
          %mul3A_297 = arith.mulf %exp3A, %get3A_231 : vector<16xf32>
          %add3A_298 = arith.addf %scan3A_203, %mul3A_297 : vector<16xf32>
          %mul3A_299 = arith.mulf %exp3A, %get3A_236 : vector<16xf32>
          %add3A_300 = arith.addf %scan3A_204, %mul3A_299 : vector<16xf32>
          %mul3A_301 = arith.mulf %exp3A, %get3A_241 : vector<16xf32>
          %add3A_302 = arith.addf %scan3A_205, %mul3A_301 : vector<16xf32>
          %mul3A_303 = arith.mulf %exp3A, %get3A_246 : vector<16xf32>
          %add3A_304 = arith.addf %scan3A_206, %mul3A_303 : vector<16xf32>
          scf.yield %add3A_288, %add3A_290, %add3A_292, %add3A_294, %add3A_296, %add3A_298, %add3A_300, %add3A_302, %add3A_304 : vector<16xf32>, vector<16xf32>, vector<16xf32>, vector<16xf32>, vector<16xf32>, vector<16xf32>, vector<16xf32>, vector<16xf32>, vector<16xf32>
        }
        %scan3A_146 = arith.constant 50 : i32
        %div3A = arith.constant 1.000000e+00 : f32
        %div3A_147 = vector.broadcast %div3A : f32 to vector<16xf32>
        %div3A_148 = arith.divf %div3A_147, %scan3A_145#0 : vector<16xf32>
        %mul3A_149 = arith.mulf %scan3A_145#1, %div3A_148 : vector<16xf32>
        %swap3A = arith.index_cast %scan3A_67 : i32 to index
        %swap3A_150 = arith.constant 0 : index
        %swap3A_151 = tpu.vector_load %arg8[%swap3A, %swap3A_150] {strides = array<i32>} : memref<4x128xf32, #tpu.memory_space<vmem>>, vector<1x16xf32>,
        %swap3A_152 = vector.shape_cast %swap3A_151 : vector<1x16xf32> to vector<16xf32>
        %swap3A_153 = vector.shape_cast %mul3A_149 : vector<16xf32> to vector<1x16xf32>
        tpu.vector_store %arg8[%swap3A, %swap3A_150], %swap3A_153 {strides = array<i32>} : memref<4x128xf32, #tpu.memory_space<vmem>>, vector<1x16xf32>,
        %mul3A_154 = arith.mulf %scan3A_145#2, %div3A_148 : vector<16xf32>
        %swap3A_155 = arith.index_cast %scan3A_67 : i32 to index
        %swap3A_156 = arith.constant 16 : index
        %swap3A_157 = tpu.vector_load %arg8[%swap3A_155, %swap3A_156] {strides = array<i32>} : memref<4x128xf32, #tpu.memory_space<vmem>>, vector<1x16xf32>,
        %swap3A_158 = vector.shape_cast %swap3A_157 : vector<1x16xf32> to vector<16xf32>
        %swap3A_159 = vector.shape_cast %mul3A_154 : vector<16xf32> to vector<1x16xf32>
        tpu.vector_store %arg8[%swap3A_155, %swap3A_156], %swap3A_159 {strides = array<i32>} : memref<4x128xf32, #tpu.memory_space<vmem>>, vector<1x16xf32>,
        %mul3A_160 = arith.mulf %scan3A_145#3, %div3A_148 : vector<16xf32>
        %swap3A_161 = arith.index_cast %scan3A_67 : i32 to index
        %swap3A_162 = arith.constant 32 : index
        %swap3A_163 = tpu.vector_load %arg8[%swap3A_161, %swap3A_162] {strides = array<i32>} : memref<4x128xf32, #tpu.memory_space<vmem>>, vector<1x16xf32>,
        %swap3A_164 = vector.shape_cast %swap3A_163 : vector<1x16xf32> to vector<16xf32>
        %swap3A_165 = vector.shape_cast %mul3A_160 : vector<16xf32> to vector<1x16xf32>
        tpu.vector_store %arg8[%swap3A_161, %swap3A_162], %swap3A_165 {strides = array<i32>} : memref<4x128xf32, #tpu.memory_space<vmem>>, vector<1x16xf32>,
        %mul3A_166 = arith.mulf %scan3A_145#4, %div3A_148 : vector<16xf32>
        %swap3A_167 = arith.index_cast %scan3A_67 : i32 to index
        %swap3A_168 = arith.constant 48 : index
        %swap3A_169 = tpu.vector_load %arg8[%swap3A_167, %swap3A_168] {strides = array<i32>} : memref<4x128xf32, #tpu.memory_space<vmem>>, vector<1x16xf32>,
        %swap3A_170 = vector.shape_cast %swap3A_169 : vector<1x16xf32> to vector<16xf32>
        %swap3A_171 = vector.shape_cast %mul3A_166 : vector<16xf32> to vector<1x16xf32>
        tpu.vector_store %arg8[%swap3A_167, %swap3A_168], %swap3A_171 {strides = array<i32>} : memref<4x128xf32, #tpu.memory_space<vmem>>, vector<1x16xf32>,
        %mul3A_172 = arith.mulf %scan3A_145#5, %div3A_148 : vector<16xf32>
        %swap3A_173 = arith.index_cast %scan3A_67 : i32 to index
        %swap3A_174 = arith.constant 64 : index
        %swap3A_175 = tpu.vector_load %arg8[%swap3A_173, %swap3A_174] {strides = array<i32>} : memref<4x128xf32, #tpu.memory_space<vmem>>, vector<1x16xf32>,
        %swap3A_176 = vector.shape_cast %swap3A_175 : vector<1x16xf32> to vector<16xf32>
        %swap3A_177 = vector.shape_cast %mul3A_172 : vector<16xf32> to vector<1x16xf32>
        tpu.vector_store %arg8[%swap3A_173, %swap3A_174], %swap3A_177 {strides = array<i32>} : memref<4x128xf32, #tpu.memory_space<vmem>>, vector<1x16xf32>,
        %mul3A_178 = arith.mulf %scan3A_145#6, %div3A_148 : vector<16xf32>
        %swap3A_179 = arith.index_cast %scan3A_67 : i32 to index
        %swap3A_180 = arith.constant 80 : index
        %swap3A_181 = tpu.vector_load %arg8[%swap3A_179, %swap3A_180] {strides = array<i32>} : memref<4x128xf32, #tpu.memory_space<vmem>>, vector<1x16xf32>,
        %swap3A_182 = vector.shape_cast %swap3A_181 : vector<1x16xf32> to vector<16xf32>
        %swap3A_183 = vector.shape_cast %mul3A_178 : vector<16xf32> to vector<1x16xf32>
        tpu.vector_store %arg8[%swap3A_179, %swap3A_180], %swap3A_183 {strides = array<i32>} : memref<4x128xf32, #tpu.memory_space<vmem>>, vector<1x16xf32>,
        %mul3A_184 = arith.mulf %scan3A_145#7, %div3A_148 : vector<16xf32>
        %swap3A_185 = arith.index_cast %scan3A_67 : i32 to index
        %swap3A_186 = arith.constant 96 : index
        %swap3A_187 = tpu.vector_load %arg8[%swap3A_185, %swap3A_186] {strides = array<i32>} : memref<4x128xf32, #tpu.memory_space<vmem>>, vector<1x16xf32>,
        %swap3A_188 = vector.shape_cast %swap3A_187 : vector<1x16xf32> to vector<16xf32>
        %swap3A_189 = vector.shape_cast %mul3A_184 : vector<16xf32> to vector<1x16xf32>
        tpu.vector_store %arg8[%swap3A_185, %swap3A_186], %swap3A_189 {strides = array<i32>} : memref<4x128xf32, #tpu.memory_space<vmem>>, vector<1x16xf32>,
        %mul3A_190 = arith.mulf %scan3A_145#8, %div3A_148 : vector<16xf32>
        %swap3A_191 = arith.index_cast %scan3A_67 : i32 to index
        %swap3A_192 = arith.constant 112 : index
        %swap3A_193 = tpu.vector_load %arg8[%swap3A_191, %swap3A_192] {strides = array<i32>} : memref<4x128xf32, #tpu.memory_space<vmem>>, vector<1x16xf32>,
        %swap3A_194 = vector.shape_cast %swap3A_193 : vector<1x16xf32> to vector<16xf32>
        %swap3A_195 = vector.shape_cast %mul3A_190 : vector<16xf32> to vector<1x16xf32>
        tpu.vector_store %arg8[%swap3A_191, %swap3A_192], %swap3A_195 {strides = array<i32>} : memref<4x128xf32, #tpu.memory_space<vmem>>, vector<1x16xf32>,
        %scan3A_196 = arith.constant 0 : i32
        scf.yield %scan3A_196 : i32
      }
      %scan3A_62 = arith.constant 4 : i32
      %mul3A_63 = arith.constant 4 : i32
      %mul3A_64 = arith.muli %add3A_55, %mul3A_63 : i32
      %add3A_65 = arith.addi %mul3A_2, %mul3A_64 : i32
      "tpu.region"() ({
        %run_scoped3A = tpu.sem_alloc : memref<!tpu.dma_semaphore, #tpu.memory_space<semaphore_mem>>
        %dma_start3A_67 = arith.constant 0 : i32
        %dma_start3A_68 = tpu.memref_slice %arg4[%add3A_65, %dma_start3A_67] : memref<2048x128xf32, #tpu.memory_space<hbm>> -> memref<4x128xf32, #tpu.memory_space<hbm>>
        %dma_start3A_69 = arith.constant 0 : i32
        %dma_start3A_70 = tpu.memref_slice %arg4[%add3A_65, %dma_start3A_69] : memref<2048x128xf32, #tpu.memory_space<hbm>> -> memref<4x128xf32, #tpu.memory_space<hbm>>
        tpu.enqueue_dma source(%arg8 : memref<4x128xf32, #tpu.memory_space<vmem>>) target(%dma_start3A_70 : memref<4x128xf32, #tpu.memory_space<hbm>>) target_semaphore(%run_scoped3A : memref<!tpu.dma_semaphore, #tpu.memory_space<semaphore_mem>>)
        %dma_wait3A_71 = arith.constant 0 : i32
        %dma_wait3A_72 = tpu.memref_slice %arg4[%add3A_65, %dma_wait3A_71] : memref<2048x128xf32, #tpu.memory_space<hbm>> -> memref<4x128xf32, #tpu.memory_space<hbm>>
        %dma_wait3A_73 = arith.constant 0 : i32
        %dma_wait3A_74 = tpu.memref_slice %arg4[%add3A_65, %dma_wait3A_73] : memref<2048x128xf32, #tpu.memory_space<hbm>> -> memref<4x128xf32, #tpu.memory_space<hbm>>
        tpu.wait_dma2 semaphore(%run_scoped3A : memref<!tpu.dma_semaphore, #tpu.memory_space<semaphore_mem>>) src(%arg8 : memref<4x128xf32, #tpu.memory_space<vmem>>) dst(%dma_wait3A_74 : memref<4x128xf32, #tpu.memory_space<hbm>>)
        tpu.yield
      }) : () -> ()
      %scan3A_66 = arith.constant 0 : i32
      scf.yield %scan3A_66 : i32
    }
    %scan3A_15 = arith.constant 8 : i32
    return
  }
}

module attributes {stable_mosaic.version = 14 : i64} {
  func.func @_gate_body(%arg0: i32, %arg1: memref<512x128xf32, #tpu.memory_space<vmem>>, %arg2: memref<512x128xf32, #tpu.memory_space<vmem>>, %arg3: memref<128x128xf32, #tpu.memory_space<vmem>>, %arg4: memref<128x128xf32, #tpu.memory_space<vmem>>, %arg5: memref<1x128xf32, #tpu.memory_space<vmem>>, %arg6: memref<512x128xf32, #tpu.memory_space<vmem>>) attributes {dimension_semantics = [#tpu.dimension_semantics<arbitrary>], iteration_bounds = array<i64: 4>, scalar_prefetch = 0 : i64, scratch_operands = 0 : i64, tpu.core_type = #tpu.core_type<tc>, window_params = [{transform_indices = @transform_0, window_bounds = array<i64: 512, 128>}, {transform_indices = @transform_1, window_bounds = array<i64: 512, 128>}, {pipeline_mode = #tpu.pipeline_mode<synchronous>, transform_indices = @transform_2, window_bounds = array<i64: 128, 128>}, {pipeline_mode = #tpu.pipeline_mode<synchronous>, transform_indices = @transform_3, window_bounds = array<i64: 128, 128>}, {pipeline_mode = #tpu.pipeline_mode<synchronous>, transform_indices = @transform_4, window_bounds = array<i64: 1, 128>}, {transform_indices = @transform_5, window_bounds = array<i64: 512, 128>}]} {
    %get3A = arith.constant 0 : index
    %get3A_0 = arith.constant 0 : index
    %get3A_1 = vector.load %arg1[%get3A, %get3A_0] : memref<512x128xf32, #tpu.memory_space<vmem>>, vector<512x128xf32>
    %get3A_2 = arith.constant 0 : index
    %get3A_3 = arith.constant 0 : index
    %get3A_4 = vector.load %arg2[%get3A_2, %get3A_3] : memref<512x128xf32, #tpu.memory_space<vmem>>, vector<512x128xf32>
    %get3A_5 = arith.constant 0 : index
    %get3A_6 = arith.constant 0 : index
    %get3A_7 = vector.load %arg3[%get3A_5, %get3A_6] : memref<128x128xf32, #tpu.memory_space<vmem>>, vector<128x128xf32>
    %dot_general3A = arith.constant dense<0.000000e+00> : vector<512x128xf32>
    %dot_general3A_8 = tpu.matmul %get3A_1, %get3A_7, %dot_general3A {dimension_numbers = #tpu.dot_dimension_numbers<[1], [0], [0], [1], [0, 0, 1, 1], [], []>, transpose_lhs_hint = false} : vector<512x128xf32>, vector<128x128xf32>, vector<512x128xf32> -> vector<512x128xf32>
    %get3A_9 = arith.constant 0 : index
    %get3A_10 = arith.constant 0 : index
    %get3A_11 = vector.load %arg4[%get3A_9, %get3A_10] : memref<128x128xf32, #tpu.memory_space<vmem>>, vector<128x128xf32>
    %dot_general3A_12 = arith.constant dense<0.000000e+00> : vector<512x128xf32>
    %dot_general3A_13 = tpu.matmul %get3A_4, %get3A_11, %dot_general3A_12 {dimension_numbers = #tpu.dot_dimension_numbers<[1], [0], [0], [1], [0, 0, 1, 1], [], []>, transpose_lhs_hint = false} : vector<512x128xf32>, vector<128x128xf32>, vector<512x128xf32> -> vector<512x128xf32>
    %add3A = arith.addf %dot_general3A_8, %dot_general3A_13 : vector<512x128xf32>
    %get3A_14 = arith.constant 0 : index
    %get3A_15 = arith.constant 0 : index
    %get3A_16 = vector.load %arg5[%get3A_14, %get3A_15] : memref<1x128xf32, #tpu.memory_space<vmem>>, vector<1x128xf32>
    %add3A_17 = vector.broadcast %get3A_16 : vector<1x128xf32> to vector<512x128xf32>
    %add3A_18 = arith.addf %add3A, %add3A_17 : vector<512x128xf32>
    %logistic3A = arith.negf %add3A_18 : vector<512x128xf32>
    %logistic3A_19 = math.exp %logistic3A : vector<512x128xf32>
    %logistic3A_20 = arith.constant 1.000000e+00 : f32
    %logistic3A_21 = vector.broadcast %logistic3A_20 : f32 to vector<512x128xf32>
    %logistic3A_22 = arith.addf %logistic3A_21, %logistic3A_19 : vector<512x128xf32>
    %logistic3A_23 = arith.divf %logistic3A_21, %logistic3A_22 : vector<512x128xf32>
    %mul3A = arith.mulf %logistic3A_23, %get3A_4 : vector<512x128xf32>
    %sub3A = arith.constant 1.000000e+00 : f32
    %sub3A_24 = vector.broadcast %sub3A : f32 to vector<512x128xf32>
    %sub3A_25 = arith.subf %sub3A_24, %logistic3A_23 : vector<512x128xf32>
    %mul3A_26 = arith.mulf %sub3A_25, %get3A_1 : vector<512x128xf32>
    %add3A_27 = arith.addf %mul3A, %mul3A_26 : vector<512x128xf32>
    %swap3A = arith.constant 0 : index
    %swap3A_28 = arith.constant 0 : index
    %swap3A_29 = vector.load %arg6[%swap3A, %swap3A_28] : memref<512x128xf32, #tpu.memory_space<vmem>>, vector<512x128xf32>
    tpu.vector_store %arg6[%swap3A, %swap3A_28], %add3A_27 {strides = array<i32>} : memref<512x128xf32, #tpu.memory_space<vmem>>, vector<512x128xf32>,
    return
  }
  func.func @transform_0(%arg0: i32) -> (i32, i32) {
    %add3A = arith.constant 4 : i32
    %add3A_0 = arith.addi %arg0, %add3A : i32
    %c0_i32 = arith.constant 0 : i32
    %c0_i32_1 = arith.constant 0 : i32
    return %add3A_0, %c0_i32 : i32, i32
  }
  func.func @transform_1(%arg0: i32) -> (i32, i32) {
    %c0_i32 = arith.constant 0 : i32
    %c0_i32_0 = arith.constant 0 : i32
    return %arg0, %c0_i32 : i32, i32
  }
  func.func @transform_2(%arg0: i32) -> (i32, i32) {
    %c0_i32 = arith.constant 0 : i32
    %c0_i32_0 = arith.constant 0 : i32
    %c0_i32_1 = arith.constant 0 : i32
    return %c0_i32, %c0_i32_0 : i32, i32
  }
  func.func @transform_3(%arg0: i32) -> (i32, i32) {
    %c0_i32 = arith.constant 0 : i32
    %c0_i32_0 = arith.constant 0 : i32
    %c0_i32_1 = arith.constant 0 : i32
    return %c0_i32, %c0_i32_0 : i32, i32
  }
  func.func @transform_4(%arg0: i32) -> (i32, i32) {
    %c0_i32 = arith.constant 0 : i32
    %c0_i32_0 = arith.constant 0 : i32
    %c0_i32_1 = arith.constant 0 : i32
    return %c0_i32, %c0_i32_0 : i32, i32
  }
  func.func @transform_5(%arg0: i32) -> (i32, i32) {
    %c0_i32 = arith.constant 0 : i32
    %c0_i32_0 = arith.constant 0 : i32
    return %arg0, %c0_i32 : i32, i32
  }
}

module attributes {stable_mosaic.version = 14 : i64} {
  func.func @_tc_fused_body(%arg0: i32, %arg1: memref<256x128xf32, #tpu.memory_space<vmem>>, %arg2: memref<256x50x128xf32, #tpu.memory_space<vmem>>, %arg3: memref<128x128xf32, #tpu.memory_space<vmem>>, %arg4: memref<128x128xf32, #tpu.memory_space<vmem>>, %arg5: memref<1x128xf32, #tpu.memory_space<vmem>>, %arg6: memref<256x128xf32, #tpu.memory_space<vmem>>) attributes {dimension_semantics = [#tpu.dimension_semantics<arbitrary>], iteration_bounds = array<i64: 8>, scalar_prefetch = 0 : i64, scratch_operands = 0 : i64, tpu.core_type = #tpu.core_type<tc>, window_params = [{transform_indices = @transform_0, window_bounds = array<i64: 256, 128>}, {transform_indices = @transform_1, window_bounds = array<i64: 256, 50, 128>}, {pipeline_mode = #tpu.pipeline_mode<synchronous>, transform_indices = @transform_2, window_bounds = array<i64: 128, 128>}, {pipeline_mode = #tpu.pipeline_mode<synchronous>, transform_indices = @transform_3, window_bounds = array<i64: 128, 128>}, {pipeline_mode = #tpu.pipeline_mode<synchronous>, transform_indices = @transform_4, window_bounds = array<i64: 1, 128>}, {transform_indices = @transform_5, window_bounds = array<i64: 256, 128>}]} {
    %get3A = arith.constant 0 : index
    %get3A_0 = arith.constant 0 : index
    %get3A_1 = vector.load %arg1[%get3A, %get3A_0] : memref<256x128xf32, #tpu.memory_space<vmem>>, vector<256x128xf32>
    %get3A_2 = arith.constant 0 : index
    %get3A_3 = arith.constant 0 : index
    %get3A_4 = arith.constant 0 : index
    %get3A_5 = vector.load %arg2[%get3A_2, %get3A_3, %get3A_4] : memref<256x50x128xf32, #tpu.memory_space<vmem>>, vector<256x50x128xf32>
    %broadcast_in_dim3A = vector.shape_cast %get3A_1 : vector<256x128xf32> to vector<256x1x128xf32>
    %mul3A = vector.broadcast %broadcast_in_dim3A : vector<256x1x128xf32> to vector<256x50x128xf32>
    %mul3A_6 = arith.mulf %get3A_5, %mul3A : vector<256x50x128xf32>
    %reduce_sum3A = arith.constant dense<0.000000e+00> : vector<256x50xf32>
    %reduce_sum3A_7 = vector.multi_reduction <add>, %mul3A_6, %reduce_sum3A [2] : vector<256x50x128xf32> to vector<256x50xf32>
    %exp3A = math.exp %reduce_sum3A_7 : vector<256x50xf32>
    %reduce_sum3A_8 = arith.constant dense<0.000000e+00> : vector<256xf32>
    %reduce_sum3A_9 = vector.multi_reduction <add>, %exp3A, %reduce_sum3A_8 [1] : vector<256x50xf32> to vector<256xf32>
    %broadcast_in_dim3A_10 = vector.shape_cast %reduce_sum3A_9 : vector<256xf32> to vector<256x1xf32>
    %div3A = vector.broadcast %broadcast_in_dim3A_10 : vector<256x1xf32> to vector<256x50xf32>
    %div3A_11 = arith.divf %exp3A, %div3A : vector<256x50xf32>
    %broadcast_in_dim3A_12 = vector.shape_cast %div3A_11 : vector<256x50xf32> to vector<256x50x1xf32>
    %mul3A_13 = vector.broadcast %broadcast_in_dim3A_12 : vector<256x50x1xf32> to vector<256x50x128xf32>
    %mul3A_14 = arith.mulf %mul3A_13, %get3A_5 : vector<256x50x128xf32>
    %reduce_sum3A_15 = arith.constant dense<0.000000e+00> : vector<256x128xf32>
    %reduce_sum3A_16 = vector.multi_reduction <add>, %mul3A_14, %reduce_sum3A_15 [1] : vector<256x50x128xf32> to vector<256x128xf32>
    %get3A_17 = arith.constant 0 : index
    %get3A_18 = arith.constant 0 : index
    %get3A_19 = vector.load %arg3[%get3A_17, %get3A_18] : memref<128x128xf32, #tpu.memory_space<vmem>>, vector<128x128xf32>
    %dot_general3A = arith.constant dense<0.000000e+00> : vector<256x128xf32>
    %dot_general3A_20 = tpu.matmul %get3A_1, %get3A_19, %dot_general3A {dimension_numbers = #tpu.dot_dimension_numbers<[1], [0], [0], [1], [0, 0, 1, 1], [], []>, transpose_lhs_hint = false} : vector<256x128xf32>, vector<128x128xf32>, vector<256x128xf32> -> vector<256x128xf32>
    %get3A_21 = arith.constant 0 : index
    %get3A_22 = arith.constant 0 : index
    %get3A_23 = vector.load %arg4[%get3A_21, %get3A_22] : memref<128x128xf32, #tpu.memory_space<vmem>>, vector<128x128xf32>
    %dot_general3A_24 = arith.constant dense<0.000000e+00> : vector<256x128xf32>
    %dot_general3A_25 = tpu.matmul %reduce_sum3A_16, %get3A_23, %dot_general3A_24 {dimension_numbers = #tpu.dot_dimension_numbers<[1], [0], [0], [1], [0, 0, 1, 1], [], []>, transpose_lhs_hint = false} : vector<256x128xf32>, vector<128x128xf32>, vector<256x128xf32> -> vector<256x128xf32>
    %add3A = arith.addf %dot_general3A_20, %dot_general3A_25 : vector<256x128xf32>
    %get3A_26 = arith.constant 0 : index
    %get3A_27 = arith.constant 0 : index
    %get3A_28 = vector.load %arg5[%get3A_26, %get3A_27] : memref<1x128xf32, #tpu.memory_space<vmem>>, vector<1x128xf32>
    %add3A_29 = vector.broadcast %get3A_28 : vector<1x128xf32> to vector<256x128xf32>
    %add3A_30 = arith.addf %add3A, %add3A_29 : vector<256x128xf32>
    %logistic3A = arith.negf %add3A_30 : vector<256x128xf32>
    %logistic3A_31 = math.exp %logistic3A : vector<256x128xf32>
    %logistic3A_32 = arith.constant 1.000000e+00 : f32
    %logistic3A_33 = vector.broadcast %logistic3A_32 : f32 to vector<256x128xf32>
    %logistic3A_34 = arith.addf %logistic3A_33, %logistic3A_31 : vector<256x128xf32>
    %logistic3A_35 = arith.divf %logistic3A_33, %logistic3A_34 : vector<256x128xf32>
    %mul3A_36 = arith.mulf %logistic3A_35, %reduce_sum3A_16 : vector<256x128xf32>
    %sub3A = arith.constant 1.000000e+00 : f32
    %sub3A_37 = vector.broadcast %sub3A : f32 to vector<256x128xf32>
    %sub3A_38 = arith.subf %sub3A_37, %logistic3A_35 : vector<256x128xf32>
    %mul3A_39 = arith.mulf %sub3A_38, %get3A_1 : vector<256x128xf32>
    %add3A_40 = arith.addf %mul3A_36, %mul3A_39 : vector<256x128xf32>
    %swap3A = arith.constant 0 : index
    %swap3A_41 = arith.constant 0 : index
    %swap3A_42 = vector.load %arg6[%swap3A, %swap3A_41] : memref<256x128xf32, #tpu.memory_space<vmem>>, vector<256x128xf32>
    tpu.vector_store %arg6[%swap3A, %swap3A_41], %add3A_40 {strides = array<i32>} : memref<256x128xf32, #tpu.memory_space<vmem>>, vector<256x128xf32>,
    return
  }
  func.func @transform_0(%arg0: i32) -> (i32, i32) {
    %c0_i32 = arith.constant 0 : i32
    %c0_i32_0 = arith.constant 0 : i32
    return %arg0, %c0_i32 : i32, i32
  }
  func.func @transform_1(%arg0: i32) -> (i32, i32, i32) {
    %c0_i32 = arith.constant 0 : i32
    %c0_i32_0 = arith.constant 0 : i32
    %c0_i32_1 = arith.constant 0 : i32
    return %arg0, %c0_i32, %c0_i32_0 : i32, i32, i32
  }
  func.func @transform_2(%arg0: i32) -> (i32, i32) {
    %c0_i32 = arith.constant 0 : i32
    %c0_i32_0 = arith.constant 0 : i32
    %c0_i32_1 = arith.constant 0 : i32
    return %c0_i32, %c0_i32_0 : i32, i32
  }
  func.func @transform_3(%arg0: i32) -> (i32, i32) {
    %c0_i32 = arith.constant 0 : i32
    %c0_i32_0 = arith.constant 0 : i32
    %c0_i32_1 = arith.constant 0 : i32
    return %c0_i32, %c0_i32_0 : i32, i32
  }
  func.func @transform_4(%arg0: i32) -> (i32, i32) {
    %c0_i32 = arith.constant 0 : i32
    %c0_i32_0 = arith.constant 0 : i32
    %c0_i32_1 = arith.constant 0 : i32
    return %c0_i32, %c0_i32_0 : i32, i32
  }
  func.func @transform_5(%arg0: i32) -> (i32, i32) {
    %c0_i32 = arith.constant 0 : i32
    %c0_i32_0 = arith.constant 0 : i32
    return %arg0, %c0_i32 : i32, i32
  }
}

</mosaic_0001>

<sc_bundles>
// kernel: kernel.5.cloned.1.call-start
scs
__scs_entry_jumppad:
0x0: {  	(pc) =	sbr.rel $0x88, $3  }
0x1: {  	(tag) =	ssettag $0x0;
	lr =	simm.s32 $0x1  }
0x2: {  	[smem:$0x3F9A] =	sst lr;
	_ =	strace $0xD0000000  }
0x3: {  	_ = 	snop  }
0x4: {  	_ = 	snop  }
0x5: {  	_ = 	snop  }
0x6: {  	_ = 	snop  }
0x7: {  	_ = 	snop  }
__scs_overlays_trampoline_lowered:
0x8: {  	[smem:$0x3FA9] =	sst s0  }
0x9: {  	[smem:$0x3FAA] =	sst s1  }
0xa: {  	[smem:$0x3FAB] =	sst s2  }
0xb: {  	[smem:$0x3FAC] =	sst s3  }
0xc: {  	[smem:$0x3FAD] =	sst s4  }
0xd: {  	[smem:$0x3FAE] =	sst s5  }
0xe: {  	[smem:$0x3FAF] =	sst s6  }
0xf: {  	[smem:$0x3FB0] =	sst s7  }
0x10: {  	[smem:$0x3FB1] =	sst s8  }
0x11: {  	[smem:$0x3FB2] =	sst s9;
	s0 =	simm.s32 @!p0 $0x0  }
0x12: {  	s1 =	sld [smem:$0x3F98];
	s0 =	simm.s32 @p0 $0x1  }
0x13: {  	[smem:$0x3FB3] =	sst s0;
	s0 =	simm.s32 @!p1 $0x0  }
0x14: {  	s2 =	sld [smem:$0x3F97];
	s0 =	simm.s32 @p1 $0x1  }
0x15: {  	[smem:$0x3FB4] =	sst s0;
	s0 =	simm.s32 @!p2 $0x0  }
0x16: {  	s3 =	sld [smem:$0x3FDB];
	s0 =	simm.s32 @p2 $0x1  }
0x17: {  	s4 =	simm.s32 $0x1BF5;
	[smem:$0x3FB6] =	sst s0  }
0x18: {  	s0 =	sld [smem:$0x3F99];
	_ =	swait.ge [sflag:s4], $0x0  }
0x19: {  	s7 =	sld [smem:$0x3F9A]  }
0x1a: {  	s8 =	sadd.s32 $0xFFFFE003, lr  }
0x1b: {  	s9 =	sadd.s32 $0xFFFFFEF7, lr;
	s5 =	simm.s32 $0xFFFFFFFF;
	p2 =	slt.u32 s8, $0xFFFFF086  }
0x1c: {  	p1 =	slt.u32 s9, $0xF7A;
	s5 =	simm.s32 @!p2 $0x0  }
0x1d: {  	s5 =	simm.s32 @p1 $0x1;
	p0 =	seq.s32 s7, s2  }
0x1e: {  	s7 =	smul.u32 @!p0 $0xF7A, s2;
	p2 =	seq.s32 @!p0 s5, $0x0  }
0x1f: {  	s9 =	smul.u32 $0xF7A, s1;
	s8 =	simm.s32 @!p0 $0x1BF5;
	p2 =	por !p2, p0  }
0x20: {  	[sflag:s8] =	ssyncset.s32 @!p0 $0xFFFFF086;
	s6 =	sadd.s32 @!p0 s3, s7;
	s7 =	simm.s32 @!p0 $0x108  }
0x21: {  	s3 =	sadd.s32 s3, s9;
	s6 =	sadd.s32 @!p0 $0x88, s6;
	s7 =	simm.s32 @p2 $0x1082  }
0x22: {  	[simem:s7], [sflag:s8] =	dma.local @!p0 [hbm:s6], $0xF7A  }
0x23: {  	s9 =	sor.u32 $0xD0000000, s2;
	s6 =	simm.s32 $0x108;
	_ =	swait.ge @!p0 [sflag:s8], $0x0  }
0x24: {  	s3 =	sadd.s32 $0x88, s3;
	s6 =	simm.s32 @!p1 $0x1082;
	[sflag:s4] =	ssyncset.s32 $0xFFFFF086  }
0x25: {  	[simem:s6], [sflag:s4] =	dma.local [hbm:s3], $0xF7A  }
0x26: {  	[smem:$0x3F9A] =	sst s1;
	(tag) =	ssettag s2;
	_ =	strace s9  }
0x27: {  	s1 =	sld [smem:$0x3FAA]  }
0x28: {  	s2 =	sld [smem:$0x3FAB]  }
0x29: {  	s4 =	sld [smem:$0x3FAD]  }
0x2a: {  	p0 =	seq.s32 s5, $0x0;
	s5 =	sld [smem:$0x3FAE]  }
0x2b: {  	s6 =	sld [smem:$0x3FAF]  }
0x2c: {  	s7 =	sld [smem:$0x3FB0]  }
0x2d: {  	s3 =	simm.s32 $0x108;
	s8 =	sld [smem:$0x3FB1]  }
0x2e: {  	s3 =	simm.s32 @!p0 $0x1082;
	s9 =	sld [smem:$0x3FB2]  }
0x2f: {  	lr =	sadd.s32 s0, s3;
	s0 =	sld [smem:$0x3FA9]  }
0x30: {  	s3 =	sld [smem:$0x3FAC]  }
0x31: {  	[smem:$0x3FB5] =	sst s10  }
0x32: {  	s10 =	sld [smem:$0x3FB3];
	_ =	sdelay $0x3  }
0x33: {  	p0 =	seq.s32 s10, $0x1;
	s10 =	sld [smem:$0x3FB5];
	_ =	sdelay $0x3  }
0x34: {  	[smem:$0x3FB5] =	sst s10  }
0x35: {  	s10 =	sld [smem:$0x3FB4];
	_ =	sdelay $0x3  }
0x36: {  	p1 =	seq.s32 s10, $0x1;
	s10 =	sld [smem:$0x3FB5];
	_ =	sdelay $0x3  }
0x37: {  	[smem:$0x3FB5] =	sst s10  }
0x38: {  	s10 =	sld [smem:$0x3FB6]  }
0x39: {  	_ = 	snop;
	(pc) =	sbr.ind lr, $3  }
0x3a: {  	_ = 	snop  }
0x3b: {  	_ = 	snop  }
0x3c: {  	p2 =	seq.s32 s10, $0x1;
	s10 =	sld [smem:$0x3FB5]  }
0x3d: {  	_ =	shalt  }
0x3e: {  	_ =	shalt  }
0x3f: {  	_ =	shalt  }
0x40: {  	_ =	shalt  }
0x41: {  	_ =	shalt  }
0x42: {  	_ =	shalt  }
0x43: {  	_ =	shalt  }
0x44: {  	_ =	shalt  }
0x45: {  	_ =	shalt  }
0x46: {  	_ =	shalt  }
0x47: {  	_ =	shalt  }
0x48: {  	_ =	shalt  }
0x49: {  	_ =	shalt  }
0x4a: {  	_ =	shalt  }
0x4b: {  	_ =	shalt  }
0x4c: {  	_ =	shalt  }
0x4d: {  	_ =	shalt  }
0x4e: {  	_ =	shalt  }
0x4f: {  	_ =	shalt  }
0x50: {  	_ =	shalt  }
0x51: {  	_ =	shalt  }
0x52: {  	_ =	shalt  }
0x53: {  	_ =	shalt  }
0x54: {  	_ =	shalt  }
0x55: {  	_ =	shalt  }
0x56: {  	_ =	shalt  }
0x57: {  	_ =	shalt  }
0x58: {  	_ =	shalt  }
0x59: {  	_ =	shalt  }
0x5a: {  	_ =	shalt  }
0x5b: {  	_ =	shalt  }
0x5c: {  	_ =	shalt  }
0x5d: {  	_ =	shalt  }
0x5e: {  	_ =	shalt  }
0x5f: {  	_ =	shalt  }
0x60: {  	_ =	shalt  }
0x61: {  	_ =	shalt  }
0x62: {  	_ =	shalt  }
0x63: {  	_ =	shalt  }
0x64: {  	_ =	shalt  }
0x65: {  	_ =	shalt  }
0x66: {  	_ =	shalt  }
0x67: {  	_ =	shalt  }
0x68: {  	_ =	shalt  }
0x69: {  	_ =	shalt  }
0x6a: {  	_ =	shalt  }
0x6b: {  	_ =	shalt  }
0x6c: {  	_ =	shalt  }
0x6d: {  	_ =	shalt  }
0x6e: {  	_ =	shalt  }
0x6f: {  	_ =	shalt  }
0x70: {  	_ =	shalt  }
0x71: {  	_ =	shalt  }
0x72: {  	_ =	shalt  }
0x73: {  	_ =	shalt  }
0x74: {  	_ =	shalt  }
0x75: {  	_ =	shalt  }
0x76: {  	_ =	shalt  }
0x77: {  	_ =	shalt  }
0x78: {  	_ =	shalt  }
0x79: {  	_ =	shalt  }
0x7a: {  	_ =	shalt  }
0x7b: {  	_ =	shalt  }
0x7c: {  	_ =	shalt  }
0x7d: {  	_ =	shalt  }
0x7e: {  	_ =	shalt  }
0x7f: {  	_ =	shalt  }
0x80: {  	_ =	shalt  }
0x81: {  	_ =	shalt  }
0x82: {  	_ =	shalt  }
0x83: {  	_ =	shalt  }
0x84: {  	_ =	shalt  }
0x85: {  	_ =	shalt  }
0x86: {  	_ =	shalt  }
0x87: {  	_ =	shalt  }
.Lfunc_end0:
.L_simem_size_0:
called_computation_lowered:
.L_overlay_start_0:
0x88: {  	s2 =	sld [smem:$0x3FD9]  }
0x89: {  	s3 =	sld [smem:$0x3FFE];
	_ =	sdelay $0x1  }
0x8a: {  	s1 =	srdreg.scid  }
0x8b: {  	s0 =	sand.u32 $0x1, s1  }
0x8c: {  	s17 =	sshll.u32 s0, $0xA;
	s2 =	sadd.s32 s3, s2  }
0x8d: {  	s2 =	sadd.s32 s2, s17  }
0x8e: {  	[smem:$0x3FC1] =	sst s2  }
0x8f: {  	_ = 	snop  }
0x90: {  	s2 =	sld [smem:$0x3FC9]  }
0x91: {  	s18 =	sld [smem:$0x3FD0];
	(tm) =	ssettm $0x1  }
0x92: {  	s4 =	sld [smem:$0x3FFB];
	_ =	sdelay $0x3  }
0x93: {  	_ =	strace s4  }
0x94: {  	s4 =	sld [smem:$0x3FFC];
	_ =	sdelay $0x3  }
0x95: {  	_ =	strace s4  }
0x96: {  	s4 =	sld [smem:$0x3FFD];
	_ =	sdelay $0x3  }
0x97: {  	_ =	strace s4  }
0x98: {  	_ =	strace $0x8FFFFFFF  }
0x99: {  	s19 =	sld [smem:$0x3FDB];
	_ =	sdelay $0x1  }
0x9a: {  	s5 =	simm.s32 $_scs_section_size  }
0x9b: {  	s6 =	simm.s32 $_size__tile_overlayer_lowered;
	s7 =	simm.s32 $_tile_overlayer_lowered  }
0x9c: {  	s22 =	simm.s32 $0x1BFF;
	s21 =	sshll.u32 s7, $0x1;
	s4 =	sadd.s32 s5, s19  }
0x9d: {  	s8 =	simm.s32 $0x0;
	s20 =	sshll.u32 s6, $0x1;
	s6 =	sadd.s32 s21, s4  }
0x9e: {  	[timem:s8], [sflag:s22] =	dma.local [hbm:s6], s20  }
0x9f: {  	_ =	swait.ge [sflag:s22], s20  }
0xa0: {  	s5 =	ssub.s32 $0x0, s20;
	[sflag:s22] =	ssyncset.done $0x0  }
0xa1: {  	[sflag:s22] =	ssyncadd.s32 s5;
	_ =	sdelay $0x1  }
0xa2: {  	s23 =	simm.s32 $0x1B8B  }
0xa3: {  	_ =	swait.ge [sflag:s23], $0x1  }
0xa4: {  	[sflag:s23] =	ssyncset.done $0x0  }
0xa5: {  	s25 =	simm.s32 $0x1B8E;
	s24 =	sld [smem:$0x3FFE];
	[sflag:s23] =	ssyncadd.s32 $0xFFFFFFFF  }
0xa6: {  	s26 =	simm.s32 $execute0_lowered;
	[smem:$0x3FD2] =	sst s25  }
0xa7: {  	s6 =	sshll.u32 s26, $0x1;
	_ =	strace $0x80000046;
	[dreg:$0x1] =	wrdreg $0xFFFFFFFF  }
0xa8: {  	s28 =	simm.s32 $_size_execute0_lowered;
	s4 =	sadd.s32 s4, s6;
	[dreg:$0x0] =	wrdreg $0x0  }
0xa9: {  	s6 =	sshll.u32 s28, $0x1;
	[dreg:$0x2] =	wrdreg s4  }
0xaa: {  	[dreg:$0x3] =	wrdreg s6  }
0xab: {  	[dreg:$0x4] =	wrdreg $0xC0  }
0xac: {  	_ =	task [dreg:s8], $0x5FFFF  }
0xad: {  	[dreg:$0x1] =	wrdreg $0xFFFFFFFF  }
0xae: {  	[dreg:$0x0] =	wrdreg $0x60  }
0xaf: {  	[dreg:$0x2] =	wrdreg s2  }
0xb0: {  	[dreg:$0x3] =	wrdreg s24  }
0xb1: {  	[dreg:$0x4] =	wrdreg s18  }
0xb2: {  	[dreg:$0x5] =	wrdreg $0x9  }
0xb3: {  	_ =	task.clear_ibuf [dreg:s8], $0x6FFFF;
	_ =	strace $0x90000046  }
0xb4: {  	s29 =	simm.s32 $0x9;
	_ =	strace $0x80000048  }
0xb5: {  	_ =	swait.ge [sflag:s29], $0x1  }
0xb6: {  	[sflag:s29] =	ssyncadd.s32 $0xFFFFFFFF  }
0xb7: {  	_ =	strace $0x90000048  }
0xb8: {  	_ =	sfence  }
0xb9: {  	s30 =	sld [smem:$0x0];
	_ =	sdelay $0x2  }
0xba: {  	s31 =	sshll.u32 s1, $0xD;
	s1 =	sshrl.u32 s1, $0x2  }
0xbb: {  	s3 =	sand.u32 $0x4000, s31;
	s1 =	sadd.s32 s1, s30  }
0xbc: {  	s0 =	sor.u32 s3, s0;
	s1 =	sshll.u32 s1, $0x11  }
0xbd: {  	s0 =	sor.u32 s1, s0  }
0xbe: {  	s0 =	sadd.s32 $0x8F2B, s0  }
0xbf: {  	[sflag:s0] =	ssyncadd.remote.s32 $0x1  }
0xc0: {  	_ =	sfence.sel $0xFFFF  }
0xc1: {  	[dreg:$0x0] =	wrdreg $0xFFFFFFFF;
	(pc) =	sbr.abs _section_cstart, $3  }
0xc2: {  	[dreg:$0x1] =	wrdreg $0xFFFFFFFF  }
0xc3: {  	_ =	task.clear_ibuf [dreg:s8], $0x2FFFF;
	_ =	strace $0x9FFFFFFF  }
0xc4: {  	(tm) =	ssettm $0x7FFFFFFF  }
0xc5: {  	_ =	shalt  }
tec
execute0_lowered:
.L_overlay_start_1:
0x0: {  	(tag) =	ssettag $0x1  }
0x1: {  	s0 =	rddreg [dreg:$0x0]  }
0x2: {  	s1 =	rddreg [dreg:$0x1]  }
0x3: {  	s2 =	rddreg [dreg:$0x2]  }
0x4: {  	s3 =	srdreg.scid;
	s4 =	stileid.u32;
	v0 =	vimm.s32 $0xEFCDAB89;
	v1 =	vimm.s32 $0x67452301;
	s11 =	simm.s32 $0x3  }
0x5: {  	v2 =	vimm.s32 $0xDCFE98BA;
	s16 =	simm.s32 $0x5800;
	s18 =	simm.s32 $0x7400;
	s19 =	simm.s32 $0x9000  }
0x6: {  	v3 =	vimm.s32 $0x54761032;
	s20 =	simm.s32 $0xAC00;
	s21 =	simm.s32 $0xC800;
	s22 =	simm.s32 $0xE400  }
0x7: {  	v4 =	vimm.s32 $0xBA98FEDC;
	v5 =	vimm.s32 $0xFEDCBA98;
	s23 =	simm.s32 $0x1;
	s24 =	simm.s32 $0x10000;
	s25 =	simm.s32 $0x2  }
0x8: {  	v6 =	vimm.s32 $0x32107654;
	v7 =	vimm.s32 $0x76543210;
	s26 =	simm.s32 $0x0;
	s5 =	sand.u32 $0x1, s3;
	s3 =	simm.s32 $0x0;
	v0 =	vunpack.c.l.s4.s8 v0  }
0x9: {  	s4 =	sshll.u32 s4, $0x7;
	v1 =	vunpack.c.l.s4.s8 v1;
	v2 =	vunpack.c.l.s4.s8 v2;
	v3 =	vunpack.c.l.s4.s8 v3;
	s6 =	sshll.u32 s5, $0x6;
	[smem:$0x7FF] =	sst s3  }
0xa: {  	v5 =	vunpack.c.l.s4.s8 v5;
	v4 =	vunpack.c.l.s4.s8 v4;
	v6 =	vunpack.c.l.s4.s8 v6;
	s7 =	ssub.s32 $0x2, s5;
	s4 =	sor.u32 s6, s4;
	_ =	strace $0x80000047  }
0xb: {  	v7 =	vunpack.c.l.s4.s8 v7;
	s6 =	sadd.s32 $0x1200, s1;
	s29 =	sshrl.u32 s7, $0x1;
	v0 =	vunpack.c.0.s8.s32 v0;
	v1 =	vunpack.c.0.s8.s32 v1;
	s5 =	sor.u32 $0x800, s4  }
0xc: {  	v2 =	vunpack.c.0.s8.s32 v2;
	v3 =	vunpack.c.0.s8.s32 v3;
	v5 =	vunpack.c.0.s8.s32 v5;
	s1 =	ssub.s32 s7, s29;
	s9 =	sshll.u32 s4, $0x4;
	s8 =	smul.u32 $0x380, s5  }
0xd: {  	v4 =	vunpack.c.0.s8.s32 v4;
	v6 =	vunpack.c.0.s8.s32 v6;
	v7 =	vunpack.c.0.s8.s32 v7;
	s30 =	sshll.u32 s5, $0x4;
	s31 =	sadd.s32 s9, s2;
	s10 =	smax.u32 s1, $0x1  }
0xe: {  	v0 =	vcombine.low v1, v0;
	v1 =	vcombine.low v3, v2;
	v3 =	vand.u32 $0xF, v5;
	s7 =	sadd.s32 s0, s30;
	s9 =	sadd.s32 $0x40, s31;
	s8 =	sadd.s32 s6, s8  }
0xf: {  	v2 =	vcombine.low v6, v4;
	v3 =	vcombine.low v3, v7;
	s13 =	sadd.s32 $0x380, s8;
	s15 =	sadd.s32 $0x700, s8;
	s17 =	sadd.s32 $0xA80, s8  }
.LBB2_1:
0x10: {  	[tilespmem:s3], [sflag:$0x3] =	stream.linear.gather [hbm4b:s7+s3], $0x2000, $0x38;
	[tilespmem:$0x10200] =	vst v63  }
0x11: {  	_ =	swait.ge [sflag:s11], $0x2000  }
0x12: {  	[sflag:s11] =	ssyncset.done $0x0  }
0x13: {  	s0 =	simm.s32 $0x2000;
	[sflag:s11] =	ssyncadd.s32 $0xFFFFE000  }
0x14: {  	[tilespmem:s0], [sflag:$0x1] =	stream.linear.gather [hbm4b:s8+s3], $0x1900, $0x38;
	[tilespmem:$0x10200] =	vst v63  }
0x15: {  	s31 =	simm.s32 $0x3C00  }
0x16: {  	[tilespmem:s31], [sflag:$0x1] =	stream.linear.gather [hbm4b:s13+s3], $0x1900, $0x38;
	[tilespmem:$0x10200] =	vst v63  }
0x17: {  	_ = 	snop  }
0x18: {  	[tilespmem:s16], [sflag:$0x1] =	stream.linear.gather [hbm4b:s15+s3], $0x1900, $0x38;
	[tilespmem:$0x10200] =	vst v63  }
0x19: {  	s28 =	simm.s32 $0x0  }
0x1a: {  	[tilespmem:s18], [sflag:$0x1] =	stream.linear.gather [hbm4b:s17+s3], $0x1900, $0x38;
	[tilespmem:$0x10200] =	vst v63  }
.LBB2_2:
0x1b: {  	s30 =	sshll.u32 s28, $0x3  }
0x1c: {  	s0 =	sor.u32 s5, s30  }
0x1d: {  	s29 =	smul.u32 $0x1C00, s0;
	_ =	sdelay $0x1  }
0x1e: {  	s0 =	sshrl.u32 s29, $0x3  }
0x1f: {  	s0 =	sadd.s32 s6, s0  }
0x20: {  	s31 =	simm.s32 $0x0;
	s1 =	sadd.s32 $0xE00, s0  }
0x21: {  	[tilespmem:s19], [sflag:$0x2] =	stream.linear.gather [hbm4b:s1+s31], $0x1900, $0x38;
	[tilespmem:$0x10200] =	vst v63  }
0x22: {  	s12 =	sadd.s32 $0x1180, s0  }
0x23: {  	[tilespmem:s20], [sflag:$0x2] =	stream.linear.gather [hbm4b:s12+s31], $0x1900, $0x38;
	[tilespmem:$0x10200] =	vst v63  }
0x24: {  	s14 =	sadd.s32 $0x1500, s0  }
0x25: {  	[tilespmem:s21], [sflag:$0x2] =	stream.linear.gather [hbm4b:s14+s31], $0x1900, $0x38;
	[tilespmem:$0x10200] =	vst v63  }
0x26: {  	s0 =	sadd.s32 $0x1880, s0  }
0x27: {  	[tilespmem:s22], [sflag:$0x2] =	stream.linear.gather [hbm4b:s0+s31], $0x1900, $0x38;
	[tilespmem:$0x10200] =	vst v63  }
0x28: {  	_ =	swait.ge [sflag:s23], $0x6400  }
0x29: {  	[sflag:s23] =	ssyncset.done $0x0  }
0x2a: {  	s0 =	simm.s32 $0x2040;
	[sflag:s23] =	ssyncadd.s32 $0xFFFF9C00  }
.LBB2_3:
0x2b: {  	s1 =	sadd.s32 s30, s31;
	v19 =	vmov s0  }
0x2c: {  	s1 =	sshll.u32 s1, $0x7  }
0x2d: {  	s1 =	sand.u32 $0x3FFFFF80, s1  }
0x2e: {  	v25 =	vld [tilespmem:s1+$0x0]  }
0x2f: {  	s12 =	simm.s32 $0x0;
	v26 =	vld [tilespmem:s1+$0x10]  }
0x30: {  	v32 =	vld.idx.msk [tilespmem:v19+s12+$0xFFFFFFC0 ss:$0x1], $0xffff  }
0x31: {  	v5 =	vld.idx.msk [tilespmem:v19+s12+$0xFFFFFFD0 ss:$0x1], $0xffff  }
0x32: {  	v30 =	vld [tilespmem:s1+$0x20]  }
0x33: {  	v14 =	vld.idx.msk [tilespmem:v19+s12+$0xFFFFFFE0 ss:$0x1], $0xffff  }
0x34: {  	v27 =	vld [tilespmem:s1+$0x30]  }
0x35: {  	v4 =	vld.idx.msk [tilespmem:v19+s12+$0xFFFFFFF0 ss:$0x1], $0xffff  }
0x36: {  	v24 =	vld [tilespmem:s1+$0x40];
	v6 =	vmul.f32 v32, v25;
	v7 =	vmul.f32 v5, v26  }
0x37: {  	v35 =	vld.idx.msk [tilespmem:v19+s12+$0x0 ss:$0x1], $0xffff  }
0x38: {  	v28 =	vld [tilespmem:s1+$0x50];
	v8 =	vmul.f32 v14, v30;
	v6 =	vadd.f32 v7, v6  }
0x39: {  	v36 =	vld.idx.msk [tilespmem:v19+s12+$0x10 ss:$0x1], $0xffff  }
0x3a: {  	v29 =	vld [tilespmem:s1+$0x60];
	v7 =	vmul.f32 v4, v27;
	v6 =	vadd.f32 v8, v6  }
0x3b: {  	v18 =	vld.idx.msk [tilespmem:v19+s12+$0x20 ss:$0x1], $0xffff  }
0x3c: {  	v31 =	vld [tilespmem:s1+$0x70];
	v8 =	vmul.f32 v35, v24;
	v6 =	vadd.f32 v7, v6  }
0x3d: {  	v16 =	vld.idx.msk [tilespmem:v19+s12+$0x30 ss:$0x1], $0xffff  }
0x3e: {  	v7 =	vmul.f32 v36, v28;
	v8 =	vadd.f32 v8, v6  }
0x3f: {  	s12 =	simm.s32 $0x80  }
0x40: {  	v9 =	vmul.f32 v18, v29;
	v6 =	vld.idx.msk [tilespmem:v19+s12+$0xFFFFFFC0 ss:$0x1], $0xffff;
	v10 =	vadd.f32 v7, v8  }
0x41: {  	v7 =	vld.idx.msk [tilespmem:v19+s12+$0xFFFFFFD0 ss:$0x1], $0xffff  }
0x42: {  	v11 =	vmul.f32 v16, v31;
	v9 =	vadd.f32 v9, v10  }
0x43: {  	v8 =	vld.idx.msk [tilespmem:v19+s12+$0xFFFFFFE0 ss:$0x1], $0xffff  }
0x44: {  	v9 =	vadd.f32 v11, v9  }
0x45: {  	v34 =	vld.idx.msk [tilespmem:v19+s12+$0xFFFFFFF0 ss:$0x1], $0xffff;
	v10 =	vmul.f32 v6, v25  }
0x46: {  	v12 =	vmul.f32 v7, v26;
	v13 =	vperm.xlane v9, v0  }
0x47: {  	v11 =	vld.idx.msk [tilespmem:v19+s12+$0x0 ss:$0x1], $0xffff  }
0x48: {  	v17 =	vmul.f32 v8, v30;
	v10 =	vadd.f32 v12, v10;
	v12 =	vadd.f32 v9, v13  }
0x49: {  	v15 =	vld.idx.msk [tilespmem:v19+s12+$0x10 ss:$0x1], $0xffff  }
0x4a: {  	v13 =	vmul.f32 v34, v27;
	v10 =	vadd.f32 v17, v10;
	v17 =	vperm.xlane v12, v1  }
0x4b: {  	v9 =	vld.idx.msk [tilespmem:v19+s12+$0x20 ss:$0x1], $0xffff  }
0x4c: {  	v21 =	vmul.f32 v11, v24;
	v10 =	vadd.f32 v13, v10;
	v13 =	vadd.f32 v12, v17;
	_ =	sdelay $0x1  }
0x4d: {  	v20 =	vld.idx.msk [tilespmem:v19+s12+$0x30 ss:$0x1], $0xffff;
	v12 =	vmul.f32 v15, v28;
	v17 =	vadd.f32 v21, v10;
	v21 =	vperm.xlane v13, v2;
	_ =	sdelay $0x1  }
0x4e: {  	s14 =	simm.s32 $0x100;
	v22 =	vmul.f32 v9, v29;
	v23 =	vadd.f32 v12, v17;
	v21 =	vadd.f32 v13, v21  }
0x4f: {  	v10 =	vld.idx.msk [tilespmem:v19+s14+$0xFFFFFFC0 ss:$0x1], $0xffff  }
0x50: {  	v12 =	vld.idx.msk [tilespmem:v19+s14+$0xFFFFFFD0 ss:$0x1], $0xffff;
	v22 =	vadd.f32 v22, v23;
	v23 =	vperm.xlane v21, v3  }
0x51: {  	v33 =	vmul.f32 v20, v31  }
0x52: {  	v17 =	vld.idx.msk [tilespmem:v19+s14+$0xFFFFFFE0 ss:$0x1], $0xffff;
	v23 =	vadd.f32 v21, v23  }
0x53: {  	v22 =	vadd.f32 v33, v22  }
0x54: {  	v13 =	vld.idx.msk [tilespmem:v19+s14+$0xFFFFFFF0 ss:$0x1], $0xffff;
	v57 =	vmul.f32 v10, v25;
	v39 =	vmul.f32 $1.442695020e+00, v23  }
0x55: {  	v37 =	vmul.f32 v12, v26;
	v38 =	vperm.xlane v22, v0  }
0x56: {  	v21 =	vld.idx.msk [tilespmem:v19+s14+$0x0 ss:$0x1], $0xffff;
	(erf) = vpow2.f32 v39  }
0x57: {  	v40 =	vmul.f32 v17, v30;
	v33 =	vadd.f32 v37, v57;
	v58 =	vadd.f32 v22, v38  }
0x58: {  	v23 =	vld.idx.msk [tilespmem:v19+s14+$0x10 ss:$0x1], $0xffff  }
0x59: {  	v59 =	vmul.f32 v13, v27;
	v22 =	vld.idx.msk [tilespmem:v19+s14+$0x20 ss:$0x1], $0xffff;
	v33 =	vadd.f32 v40, v33;
	v60 =	vperm.xlane v58, v1  }
0x5a: {  	v45 =	vimm.f32 $0.0e+00;
	v41 =	vimm.f32 $0.0e+00;
	v42 =	vimm.f32 $0.0e+00  }
0x5b: {  	v46 =	vld.idx.msk [tilespmem:v19+s14+$0x30 ss:$0x1], $0xffff;
	v61 =	vmul.f32 v21, v24;
	v33 =	vadd.f32 v59, v33;
	v37 =	vadd.f32 v58, v60  }
0x5c: {  	v43 =	vimm.f32 $0.0e+00;
	v44 =	vimm.f32 $0.0e+00;
	v38 =	vimm.f32 $0.0e+00  }
0x5d: {  	v62 =	vmul.f32 v23, v28;
	v33 =	vadd.f32 v61, v33;
	v63 =	vperm.xlane v37, v2  }
0x5e: {  	s12 =	simm.s32 $0x180;
	v39 =	vimm.f32 $0.0e+00;
	v40 =	vimm.f32 $0.0e+00;
	v49 =	vmul.f32 v22, v29  }
0x5f: {  	s1 =	simm.s32 $0x800;
	v50 =	vadd.f32 v62, v33;
	v33 =	vld.idx.msk [tilespmem:v19+s12+$0xFFFFFFC0 ss:$0x1], $0xffff;
	v48 =	vadd.f32 v37, v63;
	v37 =	vimm.f32 $0.0e+00;
	v47 =	vpop (erf)  }
.LBB2_4:
0x60: {  	v52 =	vmul.f32 v46, v31  }
0x61: {  	p0 =	sne.s32 s1, $0x6200;
	v51 =	vld.idx.msk [tilespmem:v19+s12+$0xFFFFFFD0 ss:$0x1], $0xffff;
	v38 =	vadd.f32 v47, v38;
	v53 =	vmul.f32 v47, v16;
	v16 =	vmovc v20;
	v20 =	vmov v46;
	s14 =	smov.u32 s1;
	s1 =	sadd.s32 $0x200, s1  }
0x62: {  	v36 =	vmul.f32 v47, v36;
	v46 =	vld.idx.msk [tilespmem:v19+s12+$0xFFFFFFE0 ss:$0x1], $0xffff;
	v49 =	vadd.f32 v49, v50;
	v50 =	vperm.xlane v48, v3  }
0x63: {  	v54 =	vmul.f32 v47, v4;
	v35 =	vmul.f32 v47, v35;
	v4 =	vmovc v34;
	v45 =	vadd.f32 v53, v45  }
0x64: {  	v14 =	vmul.f32 v47, v14;
	v53 =	vld.idx.msk [tilespmem:v19+s12+$0xFFFFFFF0 ss:$0x1], $0xffff;
	v34 =	vadd.f32 v52, v49;
	v48 =	vadd.f32 v48, v50  }
0x65: {  	v32 =	vmul.f32 v47, v32;
	v39 =	vadd.f32 v35, v39;
	v49 =	vmul.f32 v47, v5;
	v5 =	vmovc v7  }
0x66: {  	v40 =	vadd.f32 v14, v40;
	v7 =	vmovc v12;
	v35 =	vmul.f32 v33, v25;
	v50 =	vld.idx.msk [tilespmem:v19+s12+$0x0 ss:$0x1], $0xffff;
	v48 =	vmul.f32 $1.442695020e+00, v48  }
0x67: {  	v52 =	vmul.f32 v51, v26;
	v55 =	vperm.xlane v34, v0;
	v41 =	vadd.f32 v49, v41;
	v12 =	vmovc v51  }
0x68: {  	v42 =	vadd.f32 v32, v42;
	v14 =	vmovc v8;
	v51 =	vmul.f32 v46, v30;
	v49 =	vld.idx.msk [tilespmem:v19+s12+$0x10 ss:$0x1], $0xffff;
	(erf) = vpow2.f32 v48  }
0x69: {  	v18 =	vmul.f32 v47, v18;
	v8 =	vmovc v17;
	v32 =	vadd.f32 v52, v35;
	v48 =	vadd.f32 v34, v55  }
0x6a: {  	v43 =	vadd.f32 v54, v43;
	v44 =	vadd.f32 v36, v44;
	v52 =	vmul.f32 v53, v27;
	v47 =	vld.idx.msk [tilespmem:v19+s12+$0x20 ss:$0x1], $0xffff  }
0x6b: {  	v37 =	vadd.f32 v18, v37;
	v17 =	vmovc v46;
	v55 =	vadd.f32 v51, v32;
	v54 =	vperm.xlane v48, v1  }
0x6c: {  	v34 =	vmovc v13;
	v13 =	vmovc v53;
	v35 =	vmov v11;
	v11 =	vmov v21;
	v51 =	vmul.f32 v50, v24;
	v46 =	vld.idx.msk [tilespmem:v19+s12+$0x30 ss:$0x1], $0xffff  }
.Ltmp0:
0x6d: {  	v36 =	vmovc v15;
	v15 =	vmovc v23;
	v21 =	vmov v50;
	v52 =	vadd.f32 v52, v55;
	v48 =	vadd.f32 v48, v54;
	(pc) =	sbr.rel @p0 .LBB2_4-.Ltmp0, $4  }
0x6e: {  	v18 =	vmovc v9;
	v9 =	vmovc v22;
	v32 =	vmov v6;
	v50 =	vmul.f32 v49, v28;
	v23 =	vmov v49  }
0x6f: {  	v6 =	vmovc v10;
	v10 =	vmov v33;
	v51 =	vadd.f32 v51, v52;
	v52 =	vperm.xlane v48, v2  }
0x70: {  	s12 =	sshra.s32 s14, $0x2;
	v49 =	vmul.f32 v47, v29;
	v22 =	vmov v47  }
0x71: {  	v50 =	vadd.f32 v50, v51;
	v48 =	vadd.f32 v48, v52;
	v33 =	vld.idx.msk [tilespmem:v19+s12+$0xFFFFFFC0 ss:$0x1], $0xffff;
	v47 =	vpop (erf)  }
0x72: {  	_ =	sdelay $0x3  }
0x73: {  	v51 =	vld.idx.msk [tilespmem:v19+s12+$0xFFFFFFD0 ss:$0x1], $0xffff;
	_ =	sdelay $0x1  }
0x74: {  	v52 =	vld.idx.msk [tilespmem:v19+s12+$0xFFFFFFE0 ss:$0x1], $0xffff;
	_ =	sdelay $0x1  }
0x75: {  	v53 =	vld.idx.msk [tilespmem:v19+s12+$0xFFFFFFF0 ss:$0x1], $0xffff  }
0x76: {  	v25 =	vmul.f32 v33, v25;
	v26 =	vmul.f32 v51, v26  }
0x77: {  	v54 =	vld.idx.msk [tilespmem:v19+s12+$0x0 ss:$0x1], $0xffff  }
0x78: {  	v30 =	vmul.f32 v52, v30;
	v25 =	vadd.f32 v26, v25  }
0x79: {  	v26 =	vld.idx.msk [tilespmem:v19+s12+$0x10 ss:$0x1], $0xffff  }
0x7a: {  	v27 =	vmul.f32 v53, v27;
	v25 =	vadd.f32 v30, v25  }
0x7b: {  	v30 =	vld.idx.msk [tilespmem:v19+s12+$0x20 ss:$0x1], $0xffff  }
0x7c: {  	v24 =	vmul.f32 v54, v24;
	v25 =	vadd.f32 v27, v25  }
0x7d: {  	v19 =	vld.idx.msk [tilespmem:v19+s12+$0x30 ss:$0x1], $0xffff  }
0x7e: {  	v56 =	vmul.f32 v26, v28;
	v24 =	vadd.f32 v24, v25  }
0x7f: {  	v57 =	vmul.f32 v46, v31  }
0x80: {  	v58 =	vadd.f32 v49, v50;
	v29 =	vmul.f32 v30, v29;
	v24 =	vadd.f32 v56, v24;
	_ =	sdelay $0x1  }
0x81: {  	v25 =	vadd.f32 v57, v58;
	v59 =	vmul.f32 v19, v31;
	v24 =	vadd.f32 v29, v24;
	_ =	sdelay $0x1  }
0x82: {  	v28 =	vperm.xlane v25, v0;
	v24 =	vadd.f32 v59, v24;
	_ =	sdelay $0x1  }
0x83: {  	v25 =	vadd.f32 v25, v28;
	v27 =	vperm.xlane v24, v0;
	_ =	sdelay $0x1  }
0x84: {  	v28 =	vperm.xlane v25, v1;
	v24 =	vadd.f32 v24, v27;
	_ =	sdelay $0x1  }
0x85: {  	v25 =	vadd.f32 v25, v28;
	v27 =	vperm.xlane v24, v1;
	_ =	sdelay $0x1  }
0x86: {  	v28 =	vperm.xlane v25, v2;
	v24 =	vadd.f32 v24, v27;
	_ =	sdelay $0x1  }
0x87: {  	v60 =	vperm.xlane v48, v3;
	v25 =	vadd.f32 v25, v28;
	v61 =	vperm.xlane v24, v2;
	_ =	sdelay $0x1  }
0x88: {  	v27 =	vadd.f32 v48, v60;
	v62 =	vperm.xlane v25, v3;
	v24 =	vadd.f32 v24, v61;
	_ =	sdelay $0x1  }
0x89: {  	v27 =	vmul.f32 $1.442695020e+00, v27;
	v25 =	vadd.f32 v25, v62;
	v28 =	vperm.xlane v24, v3;
	_ =	sdelay $0x1  }
0x8a: {  	(erf) = vpow2.f32 v27;
	v25 =	vmul.f32 $1.442695020e+00, v25;
	v24 =	vadd.f32 v24, v28;
	_ =	sdelay $0x1  }
0x8b: {  	(erf) = vpow2.f32 v25;
	v24 =	vmul.f32 $1.442695020e+00, v24;
	_ =	sdelay $0x1  }
0x8c: {  	(erf) = vpow2.f32 v24  }
0x8d: {  	v16 =	vmul.f32 v47, v16;
	v63 =	vmul.f32 v47, v36  }
0x8e: {  	v35 =	vmul.f32 v47, v35;
	v14 =	vmul.f32 v47, v14  }
0x8f: {  	v36 =	vadd.f32 v47, v38;
	v5 =	vmul.f32 v47, v5;
	v38 =	vmul.f32 v47, v32  }
0x90: {  	v4 =	vmul.f32 v47, v4;
	v16 =	vadd.f32 v16, v45;
	v14 =	vadd.f32 v14, v40  }
0x91: {  	v18 =	vmul.f32 v47, v18;
	v5 =	vadd.f32 v5, v41;
	v25 =	vadd.f32 v35, v39;
	v39 =	vpop (erf)  }
0x92: {  	v4 =	vadd.f32 v4, v43;
	v27 =	vadd.f32 v39, v36  }
0x93: {  	v18 =	vadd.f32 v18, v37;
	v28 =	vadd.f32 v38, v42;
	v41 =	vpop (erf)  }
0x94: {  	v20 =	vmul.f32 v39, v20;
	v15 =	vmul.f32 v39, v15;
	v27 =	vadd.f32 v41, v27  }
0x95: {  	v24 =	vadd.f32 v63, v44;
	v42 =	vmul.f32 v39, v34;
	v11 =	vmul.f32 v39, v11;
	v43 =	vpop (erf)  }
0x96: {  	v8 =	vmul.f32 v39, v8;
	v7 =	vmul.f32 v39, v7;
	v27 =	vadd.f32 v43, v27  }
0x97: {  	v6 =	vmul.f32 v39, v6;
	v44 =	vmul.f32 v39, v9;
	v16 =	vadd.f32 v20, v16  }
0x98: {  	v11 =	vadd.f32 v11, v25;
	v8 =	vadd.f32 v8, v14;
	(erf) = vrcp.f32 v27  }
0x99: {  	v5 =	vadd.f32 v7, v5;
	v6 =	vadd.f32 v6, v28;
	v46 =	vmul.f32 v41, v46  }
0x9a: {  	v4 =	vadd.f32 v42, v4;
	v47 =	vmul.f32 v41, v23;
	v48 =	vmul.f32 v41, v21  }
0x9b: {  	v45 =	vadd.f32 v15, v24;
	v17 =	vmul.f32 v41, v17;
	v10 =	vmul.f32 v41, v10  }
0x9c: {  	v7 =	vadd.f32 v44, v18;
	v12 =	vmul.f32 v41, v12;
	v13 =	vmul.f32 v41, v13  }
0x9d: {  	v50 =	vmul.f32 v41, v22;
	v14 =	vadd.f32 v46, v16;
	v11 =	vadd.f32 v48, v11  }
0x9e: {  	v8 =	vadd.f32 v17, v8;
	v6 =	vadd.f32 v10, v6;
	v49 =	vmul.f32 v43, v33  }
0x9f: {  	v5 =	vadd.f32 v12, v5;
	v4 =	vadd.f32 v13, v4;
	v51 =	vmul.f32 v43, v51  }
0xa0: {  	v9 =	vadd.f32 v47, v45;
	v52 =	vmul.f32 v43, v52;
	v6 =	vadd.f32 v49, v6  }
0xa1: {  	v7 =	vadd.f32 v50, v7;
	v53 =	vmul.f32 v43, v53;
	v5 =	vadd.f32 v51, v5;
	v55 =	vpop (erf)  }
0xa2: {  	s1 =	sshll.u32 s31, $0x7;
	v56 =	vmul.f32 v43, v54;
	v8 =	vadd.f32 v52, v8;
	v6 =	vmul.f32 v55, v6  }
0xa3: {  	s1 =	sand.u32 $0x3FFFFF80, s1;
	v57 =	vmul.f32 v43, v26;
	v4 =	vadd.f32 v53, v4;
	v5 =	vmul.f32 v5, v55  }
0xa4: {  	v59 =	vmul.f32 v43, v30;
	v58 =	vadd.f32 v56, v11;
	v60 =	vmul.f32 v8, v55;
	[tilespmem:s1+$0x10000] =	vst v6  }
0xa5: {  	s31 =	sadd.s32 $0x1, s31;
	v61 =	vmul.f32 v43, v19;
	v9 =	vadd.f32 v57, v9;
	v4 =	vmul.f32 v4, v55;
	[tilespmem:s1+$0x10010] =	vst v5  }
0xa6: {  	p0 =	sne.s32 s31, $0x4;
	v62 =	vmul.f32 v58, v55;
	v5 =	vadd.f32 v59, v7;
	[tilespmem:s1+$0x10020] =	vst v60  }
.Ltmp1:
0xa7: {  	v63 =	vadd.f32 v61, v14;
	[tilespmem:s1+$0x10030] =	vst v4;
	v4 =	vmul.f32 v9, v55;
	(pc) =	sbr.rel @p0 .LBB2_3-.Ltmp1, $4  }
0xa8: {  	[tilespmem:s1+$0x10040] =	vst v62;
	v5 =	vmul.f32 v5, v55  }
0xa9: {  	[tilespmem:s1+$0x10050] =	vst v4;
	v4 =	vmul.f32 v63, v55  }
0xaa: {  	[tilespmem:s1+$0x10060] =	vst v5  }
0xab: {  	s0 =	sadd.s32 $0x1C00, s0;
	[tilespmem:s1+$0x10070] =	vst v4  }
0xac: {  	s0 =	sadd.s32 s4, s30  }
0xad: {  	s0 =	sshll.u32 s0, $0x4  }
0xae: {  	p0 =	seq.s32 s28, $0x7;
	s0 =	sadd.s32 s2, s0  }
0xaf: {  	[hbm4b:s0+s3] =	stream.linear.scatter [tilespmem:s24], [sflag:$0x3], $0x200, $0x38;
	[tilespmem:$0x10200] =	vst v63  }
0xb0: {  	s0 =	sshrl.u32 @!p0 s29, $0x3;
	_ =	swait.ge [sflag:s11], $0x200  }
0xb1: {  	s12 =	simm.s32 @!p0 $0x0;
	s0 =	sadd.s32 @!p0 s6, s0;
	[sflag:s11] =	ssyncset.done $0x0  }
0xb2: {  	s14 =	simm.s32 @!p0 $0x2000;
	s1 =	sadd.s32 @!p0 $0x1C00, s0;
	[sflag:s11] =	ssyncadd.s32 $0xFFFFFE00  }
0xb3: {  	[tilespmem:s14], [sflag:$0x1] =	stream.linear.gather @!p0 [hbm4b:s1+s12], $0x1900, $0x38;
	[tilespmem:$0x10200] =	vst v63  }
0xb4: {  	s1 =	sadd.s32 @!p0 $0x1F80, s0;
	s14 =	simm.s32 @!p0 $0x3C00  }
0xb5: {  	[tilespmem:s14], [sflag:$0x1] =	stream.linear.gather @!p0 [hbm4b:s1+s12], $0x1900, $0x38;
	[tilespmem:$0x10200] =	vst v63  }
0xb6: {  	s1 =	sadd.s32 @!p0 $0x2300, s0;
	s14 =	simm.s32 @!p0 $0x5800  }
0xb7: {  	[tilespmem:s14], [sflag:$0x1] =	stream.linear.gather @!p0 [hbm4b:s1+s12], $0x1900, $0x38;
	[tilespmem:$0x10200] =	vst v63  }
0xb8: {  	s0 =	sadd.s32 @!p0 $0x2680, s0;
	s1 =	simm.s32 @!p0 $0x7400  }
0xb9: {  	[tilespmem:s1], [sflag:$0x1] =	stream.linear.gather @!p0 [hbm4b:s0+s12], $0x1900, $0x38;
	[tilespmem:$0x10200] =	vst v63  }
0xba: {  	s30 =	sshll.u32 s28, $0xA;
	_ =	swait.ge [sflag:s25], $0x6400  }
0xbb: {  	s31 =	sand.u32 $0x3FFFFC00, s30;
	[sflag:s25] =	ssyncset.done $0x0  }
0xbc: {  	v4 =	vmov s31;
	s29 =	simm.s32 $0x9040;
	s0 =	simm.s32 $0x0;
	[sflag:s25] =	ssyncadd.s32 $0xFFFF9C00  }
.LBB2_7:
0xbd: {  	_ = 	snop  }
0xbe: {  	v22 =	vmov s29;
	_ =	sdelay $0x1  }
0xbf: {  	s30 =	sshll.u32 s0, $0x7  }
0xc0: {  	v26 =	vld.idx.msk [tilespmem:v4+s30+$0x200 ss:$0x1], $0xffff  }
0xc1: {  	s1 =	simm.s32 $0x0;
	v27 =	vld.idx.msk [tilespmem:v4+s30+$0x210 ss:$0x1], $0xffff  }
0xc2: {  	v33 =	vld.idx.msk [tilespmem:v22+s1+$0xFFFFFFC0 ss:$0x1], $0xffff  }
0xc3: {  	v6 =	vld.idx.msk [tilespmem:v22+s1+$0xFFFFFFD0 ss:$0x1], $0xffff  }
0xc4: {  	v31 =	vld.idx.msk [tilespmem:v4+s30+$0x220 ss:$0x1], $0xffff  }
0xc5: {  	v15 =	vld.idx.msk [tilespmem:v22+s1+$0xFFFFFFE0 ss:$0x1], $0xffff  }
0xc6: {  	v28 =	vld.idx.msk [tilespmem:v4+s30+$0x230 ss:$0x1], $0xffff  }
0xc7: {  	v5 =	vld.idx.msk [tilespmem:v22+s1+$0xFFFFFFF0 ss:$0x1], $0xffff  }
0xc8: {  	v25 =	vld.idx.msk [tilespmem:v4+s30+$0x240 ss:$0x1], $0xffff;
	v7 =	vmul.f32 v33, v26;
	v8 =	vmul.f32 v6, v27  }
0xc9: {  	v36 =	vld.idx.msk [tilespmem:v22+s1+$0x0 ss:$0x1], $0xffff  }
0xca: {  	v29 =	vld.idx.msk [tilespmem:v4+s30+$0x250 ss:$0x1], $0xffff;
	v9 =	vmul.f32 v15, v31;
	v7 =	vadd.f32 v8, v7  }
0xcb: {  	v37 =	vld.idx.msk [tilespmem:v22+s1+$0x10 ss:$0x1], $0xffff  }
0xcc: {  	v30 =	vld.idx.msk [tilespmem:v4+s30+$0x260 ss:$0x1], $0xffff;
	v8 =	vmul.f32 v5, v28;
	v7 =	vadd.f32 v9, v7  }
0xcd: {  	v19 =	vld.idx.msk [tilespmem:v22+s1+$0x20 ss:$0x1], $0xffff  }
0xce: {  	v32 =	vld.idx.msk [tilespmem:v4+s30+$0x270 ss:$0x1], $0xffff;
	v9 =	vmul.f32 v36, v25;
	v7 =	vadd.f32 v8, v7  }
0xcf: {  	v17 =	vld.idx.msk [tilespmem:v22+s1+$0x30 ss:$0x1], $0xffff  }
0xd0: {  	v8 =	vmul.f32 v37, v29;
	v9 =	vadd.f32 v9, v7  }
0xd1: {  	s14 =	simm.s32 $0x80  }
0xd2: {  	v10 =	vmul.f32 v19, v30;
	v7 =	vld.idx.msk [tilespmem:v22+s14+$0xFFFFFFC0 ss:$0x1], $0xffff;
	v11 =	vadd.f32 v8, v9  }
0xd3: {  	v8 =	vld.idx.msk [tilespmem:v22+s14+$0xFFFFFFD0 ss:$0x1], $0xffff  }
0xd4: {  	v12 =	vmul.f32 v17, v32;
	v10 =	vadd.f32 v10, v11  }
0xd5: {  	v9 =	vld.idx.msk [tilespmem:v22+s14+$0xFFFFFFE0 ss:$0x1], $0xffff  }
0xd6: {  	v10 =	vadd.f32 v12, v10  }
0xd7: {  	v35 =	vld.idx.msk [tilespmem:v22+s14+$0xFFFFFFF0 ss:$0x1], $0xffff;
	v11 =	vmul.f32 v7, v26  }
0xd8: {  	v13 =	vmul.f32 v8, v27;
	v14 =	vperm.xlane v10, v0  }
0xd9: {  	v12 =	vld.idx.msk [tilespmem:v22+s14+$0x0 ss:$0x1], $0xffff  }
0xda: {  	v18 =	vmul.f32 v9, v31;
	v11 =	vadd.f32 v13, v11;
	v13 =	vadd.f32 v10, v14  }
0xdb: {  	v16 =	vld.idx.msk [tilespmem:v22+s14+$0x10 ss:$0x1], $0xffff  }
0xdc: {  	v14 =	vmul.f32 v35, v28;
	v11 =	vadd.f32 v18, v11;
	v18 =	vperm.xlane v13, v1  }
0xdd: {  	v10 =	vld.idx.msk [tilespmem:v22+s14+$0x20 ss:$0x1], $0xffff  }
0xde: {  	v21 =	vmul.f32 v12, v25;
	v11 =	vadd.f32 v14, v11;
	v14 =	vadd.f32 v13, v18;
	_ =	sdelay $0x1  }
0xdf: {  	v20 =	vld.idx.msk [tilespmem:v22+s14+$0x30 ss:$0x1], $0xffff;
	v13 =	vmul.f32 v16, v29;
	v18 =	vadd.f32 v21, v11;
	v21 =	vperm.xlane v14, v2;
	_ =	sdelay $0x1  }
0xe0: {  	s31 =	simm.s32 $0x100;
	v23 =	vmul.f32 v10, v30;
	v24 =	vadd.f32 v13, v18;
	v21 =	vadd.f32 v14, v21  }
0xe1: {  	v11 =	vld.idx.msk [tilespmem:v22+s31+$0xFFFFFFC0 ss:$0x1], $0xffff  }
0xe2: {  	v13 =	vld.idx.msk [tilespmem:v22+s31+$0xFFFFFFD0 ss:$0x1], $0xffff;
	v23 =	vadd.f32 v23, v24;
	v24 =	vperm.xlane v21, v3  }
0xe3: {  	v34 =	vmul.f32 v20, v32  }
0xe4: {  	v18 =	vld.idx.msk [tilespmem:v22+s31+$0xFFFFFFE0 ss:$0x1], $0xffff;
	v24 =	vadd.f32 v21, v24  }
0xe5: {  	v23 =	vadd.f32 v34, v23  }
0xe6: {  	v14 =	vld.idx.msk [tilespmem:v22+s31+$0xFFFFFFF0 ss:$0x1], $0xffff;
	v57 =	vmul.f32 v11, v26;
	v40 =	vmul.f32 $1.442695020e+00, v24  }
0xe7: {  	v38 =	vmul.f32 v13, v27;
	v39 =	vperm.xlane v23, v0  }
0xe8: {  	v21 =	vld.idx.msk [tilespmem:v22+s31+$0x0 ss:$0x1], $0xffff;
	(erf) = vpow2.f32 v40  }
0xe9: {  	v41 =	vmul.f32 v18, v31;
	v34 =	vadd.f32 v38, v57;
	v58 =	vadd.f32 v23, v39  }
0xea: {  	v24 =	vld.idx.msk [tilespmem:v22+s31+$0x10 ss:$0x1], $0xffff  }
0xeb: {  	v59 =	vmul.f32 v14, v28;
	v23 =	vld.idx.msk [tilespmem:v22+s31+$0x20 ss:$0x1], $0xffff;
	v34 =	vadd.f32 v41, v34;
	v60 =	vperm.xlane v58, v1  }
0xec: {  	v46 =	vimm.f32 $0.0e+00;
	v42 =	vimm.f32 $0.0e+00;
	v43 =	vimm.f32 $0.0e+00  }
0xed: {  	v47 =	vld.idx.msk [tilespmem:v22+s31+$0x30 ss:$0x1], $0xffff;
	v61 =	vmul.f32 v21, v25;
	v34 =	vadd.f32 v59, v34;
	v38 =	vadd.f32 v58, v60  }
0xee: {  	v44 =	vimm.f32 $0.0e+00;
	v45 =	vimm.f32 $0.0e+00;
	v39 =	vimm.f32 $0.0e+00  }
0xef: {  	v62 =	vmul.f32 v24, v29;
	v34 =	vadd.f32 v61, v34;
	v63 =	vperm.xlane v38, v2  }
0xf0: {  	s12 =	simm.s32 $0x180;
	v40 =	vimm.f32 $0.0e+00;
	v41 =	vimm.f32 $0.0e+00;
	v50 =	vmul.f32 v23, v30  }
0xf1: {  	s1 =	simm.s32 $0x800;
	v51 =	vadd.f32 v62, v34;
	v34 =	vld.idx.msk [tilespmem:v22+s12+$0xFFFFFFC0 ss:$0x1], $0xffff;
	v49 =	vadd.f32 v38, v63;
	v38 =	vimm.f32 $0.0e+00;
	v48 =	vpop (erf)  }
.LBB2_8:
0xf2: {  	v53 =	vmul.f32 v47, v32  }
0xf3: {  	p0 =	sne.s32 s1, $0x6200;
	v52 =	vld.idx.msk [tilespmem:v22+s12+$0xFFFFFFD0 ss:$0x1], $0xffff;
	v39 =	vadd.f32 v48, v39;
	v54 =	vmul.f32 v48, v17;
	v17 =	vmovc v20;
	v20 =	vmov v47;
	s14 =	smov.u32 s1;
	s1 =	sadd.s32 $0x200, s1  }
0xf4: {  	v37 =	vmul.f32 v48, v37;
	v47 =	vld.idx.msk [tilespmem:v22+s12+$0xFFFFFFE0 ss:$0x1], $0xffff;
	v50 =	vadd.f32 v50, v51;
	v51 =	vperm.xlane v49, v3  }
0xf5: {  	v55 =	vmul.f32 v48, v5;
	v36 =	vmul.f32 v48, v36;
	v5 =	vmovc v35;
	v46 =	vadd.f32 v54, v46  }
0xf6: {  	v15 =	vmul.f32 v48, v15;
	v54 =	vld.idx.msk [tilespmem:v22+s12+$0xFFFFFFF0 ss:$0x1], $0xffff;
	v35 =	vadd.f32 v53, v50;
	v49 =	vadd.f32 v49, v51  }
0xf7: {  	v33 =	vmul.f32 v48, v33;
	v40 =	vadd.f32 v36, v40;
	v50 =	vmul.f32 v48, v6;
	v6 =	vmovc v8  }
0xf8: {  	v41 =	vadd.f32 v15, v41;
	v8 =	vmovc v13;
	v36 =	vmul.f32 v34, v26;
	v51 =	vld.idx.msk [tilespmem:v22+s12+$0x0 ss:$0x1], $0xffff;
	v49 =	vmul.f32 $1.442695020e+00, v49  }
0xf9: {  	v53 =	vmul.f32 v52, v27;
	v56 =	vperm.xlane v35, v0;
	v42 =	vadd.f32 v50, v42;
	v13 =	vmovc v52  }
0xfa: {  	v43 =	vadd.f32 v33, v43;
	v15 =	vmovc v9;
	v52 =	vmul.f32 v47, v31;
	v50 =	vld.idx.msk [tilespmem:v22+s12+$0x10 ss:$0x1], $0xffff;
	(erf) = vpow2.f32 v49  }
0xfb: {  	v19 =	vmul.f32 v48, v19;
	v9 =	vmovc v18;
	v33 =	vadd.f32 v53, v36;
	v49 =	vadd.f32 v35, v56  }
0xfc: {  	v44 =	vadd.f32 v55, v44;
	v45 =	vadd.f32 v37, v45;
	v53 =	vmul.f32 v54, v28;
	v48 =	vld.idx.msk [tilespmem:v22+s12+$0x20 ss:$0x1], $0xffff  }
0xfd: {  	v38 =	vadd.f32 v19, v38;
	v18 =	vmovc v47;
	v56 =	vadd.f32 v52, v33;
	v55 =	vperm.xlane v49, v1  }
0xfe: {  	v35 =	vmovc v14;
	v14 =	vmovc v54;
	v36 =	vmov v12;
	v12 =	vmov v21;
	v52 =	vmul.f32 v51, v25;
	v47 =	vld.idx.msk [tilespmem:v22+s12+$0x30 ss:$0x1], $0xffff  }
.Ltmp2:
0xff: {  	v37 =	vmovc v16;
	v16 =	vmovc v24;
	v21 =	vmov v51;
	v53 =	vadd.f32 v53, v56;
	v49 =	vadd.f32 v49, v55;
	(pc) =	sbr.rel @p0 .LBB2_8-.Ltmp2, $4  }
0x100: {  	v19 =	vmovc v10;
	v10 =	vmovc v23;
	v33 =	vmov v7;
	v51 =	vmul.f32 v50, v29;
	v24 =	vmov v50  }
0x101: {  	v7 =	vmovc v11;
	v11 =	vmov v34;
	v52 =	vadd.f32 v52, v53;
	v53 =	vperm.xlane v49, v2  }
0x102: {  	s12 =	sshra.s32 s14, $0x2;
	v50 =	vmul.f32 v48, v30;
	v23 =	vmov v48  }
0x103: {  	v51 =	vadd.f32 v51, v52;
	v49 =	vadd.f32 v49, v53;
	v34 =	vld.idx.msk [tilespmem:v22+s12+$0xFFFFFFC0 ss:$0x1], $0xffff;
	v48 =	vpop (erf)  }
0x104: {  	_ =	sdelay $0x3  }
0x105: {  	v52 =	vld.idx.msk [tilespmem:v22+s12+$0xFFFFFFD0 ss:$0x1], $0xffff;
	_ =	sdelay $0x1  }
0x106: {  	v53 =	vld.idx.msk [tilespmem:v22+s12+$0xFFFFFFE0 ss:$0x1], $0xffff;
	_ =	sdelay $0x1  }
0x107: {  	v54 =	vld.idx.msk [tilespmem:v22+s12+$0xFFFFFFF0 ss:$0x1], $0xffff  }
0x108: {  	v26 =	vmul.f32 v34, v26;
	v27 =	vmul.f32 v52, v27  }
0x109: {  	v55 =	vld.idx.msk [tilespmem:v22+s12+$0x0 ss:$0x1], $0xffff  }
0x10a: {  	v31 =	vmul.f32 v53, v31;
	v26 =	vadd.f32 v27, v26  }
0x10b: {  	v27 =	vld.idx.msk [tilespmem:v22+s12+$0x10 ss:$0x1], $0xffff  }
0x10c: {  	v28 =	vmul.f32 v54, v28;
	v26 =	vadd.f32 v31, v26  }
0x10d: {  	v31 =	vld.idx.msk [tilespmem:v22+s12+$0x20 ss:$0x1], $0xffff  }
0x10e: {  	v25 =	vmul.f32 v55, v25;
	v26 =	vadd.f32 v28, v26  }
0x10f: {  	v22 =	vld.idx.msk [tilespmem:v22+s12+$0x30 ss:$0x1], $0xffff  }
0x110: {  	v56 =	vmul.f32 v27, v29;
	v25 =	vadd.f32 v25, v26  }
0x111: {  	v57 =	vmul.f32 v47, v32  }
0x112: {  	v58 =	vadd.f32 v50, v51;
	v30 =	vmul.f32 v31, v30;
	v25 =	vadd.f32 v56, v25;
	_ =	sdelay $0x1  }
0x113: {  	v26 =	vadd.f32 v57, v58;
	v59 =	vmul.f32 v22, v32;
	v25 =	vadd.f32 v30, v25;
	_ =	sdelay $0x1  }
0x114: {  	v29 =	vperm.xlane v26, v0;
	v25 =	vadd.f32 v59, v25;
	_ =	sdelay $0x1  }
0x115: {  	v26 =	vadd.f32 v26, v29;
	v28 =	vperm.xlane v25, v0;
	_ =	sdelay $0x1  }
0x116: {  	v29 =	vperm.xlane v26, v1;
	v25 =	vadd.f32 v25, v28;
	_ =	sdelay $0x1  }
0x117: {  	v26 =	vadd.f32 v26, v29;
	v28 =	vperm.xlane v25, v1;
	_ =	sdelay $0x1  }
0x118: {  	v29 =	vperm.xlane v26, v2;
	v25 =	vadd.f32 v25, v28;
	_ =	sdelay $0x1  }
0x119: {  	v60 =	vperm.xlane v49, v3;
	v26 =	vadd.f32 v26, v29;
	v61 =	vperm.xlane v25, v2;
	_ =	sdelay $0x1  }
0x11a: {  	v28 =	vadd.f32 v49, v60;
	v62 =	vperm.xlane v26, v3;
	v25 =	vadd.f32 v25, v61;
	_ =	sdelay $0x1  }
0x11b: {  	v28 =	vmul.f32 $1.442695020e+00, v28;
	v26 =	vadd.f32 v26, v62;
	v29 =	vperm.xlane v25, v3;
	_ =	sdelay $0x1  }
0x11c: {  	(erf) = vpow2.f32 v28;
	v26 =	vmul.f32 $1.442695020e+00, v26;
	v25 =	vadd.f32 v25, v29;
	_ =	sdelay $0x1  }
0x11d: {  	(erf) = vpow2.f32 v26;
	v25 =	vmul.f32 $1.442695020e+00, v25;
	_ =	sdelay $0x1  }
0x11e: {  	(erf) = vpow2.f32 v25  }
0x11f: {  	v17 =	vmul.f32 v48, v17;
	v63 =	vmul.f32 v48, v37  }
0x120: {  	v36 =	vmul.f32 v48, v36;
	v15 =	vmul.f32 v48, v15  }
0x121: {  	v37 =	vadd.f32 v48, v39;
	v6 =	vmul.f32 v48, v6;
	v39 =	vmul.f32 v48, v33  }
0x122: {  	v5 =	vmul.f32 v48, v5;
	v17 =	vadd.f32 v17, v46;
	v15 =	vadd.f32 v15, v41  }
0x123: {  	v19 =	vmul.f32 v48, v19;
	v6 =	vadd.f32 v6, v42;
	v26 =	vadd.f32 v36, v40;
	v40 =	vpop (erf)  }
0x124: {  	v5 =	vadd.f32 v5, v44;
	v28 =	vadd.f32 v40, v37  }
0x125: {  	v19 =	vadd.f32 v19, v38;
	v29 =	vadd.f32 v39, v43;
	v42 =	vpop (erf)  }
0x126: {  	v20 =	vmul.f32 v40, v20;
	v16 =	vmul.f32 v40, v16;
	v28 =	vadd.f32 v42, v28  }
0x127: {  	v25 =	vadd.f32 v63, v45;
	v43 =	vmul.f32 v40, v35;
	v12 =	vmul.f32 v40, v12;
	v44 =	vpop (erf)  }
0x128: {  	v9 =	vmul.f32 v40, v9;
	v8 =	vmul.f32 v40, v8;
	v28 =	vadd.f32 v44, v28  }
0x129: {  	v7 =	vmul.f32 v40, v7;
	v45 =	vmul.f32 v40, v10;
	v17 =	vadd.f32 v20, v17  }
0x12a: {  	v12 =	vadd.f32 v12, v26;
	v9 =	vadd.f32 v9, v15;
	(erf) = vrcp.f32 v28  }
0x12b: {  	v6 =	vadd.f32 v8, v6;
	v7 =	vadd.f32 v7, v29;
	v47 =	vmul.f32 v42, v47  }
0x12c: {  	v5 =	vadd.f32 v43, v5;
	v48 =	vmul.f32 v42, v24;
	v49 =	vmul.f32 v42, v21  }
0x12d: {  	v46 =	vadd.f32 v16, v25;
	v18 =	vmul.f32 v42, v18;
	v11 =	vmul.f32 v42, v11  }
0x12e: {  	v8 =	vadd.f32 v45, v19;
	v13 =	vmul.f32 v42, v13;
	v14 =	vmul.f32 v42, v14  }
0x12f: {  	v51 =	vmul.f32 v42, v23;
	v15 =	vadd.f32 v47, v17;
	v12 =	vadd.f32 v49, v12  }
0x130: {  	v9 =	vadd.f32 v18, v9;
	v7 =	vadd.f32 v11, v7;
	v50 =	vmul.f32 v44, v34  }
0x131: {  	v6 =	vadd.f32 v13, v6;
	v5 =	vadd.f32 v14, v5;
	v52 =	vmul.f32 v44, v52  }
0x132: {  	v10 =	vadd.f32 v48, v46;
	v56 =	vmul.f32 v44, v54;
	v7 =	vadd.f32 v50, v7  }
0x133: {  	v8 =	vadd.f32 v51, v8;
	v53 =	vmul.f32 v44, v53;
	v6 =	vadd.f32 v52, v6;
	v57 =	vpop (erf)  }
0x134: {  	v59 =	vmul.f32 v44, v27;
	v5 =	vadd.f32 v56, v5;
	v7 =	vmul.f32 v57, v7  }
0x135: {  	v58 =	vmul.f32 v44, v55;
	v9 =	vadd.f32 v53, v9;
	v6 =	vmul.f32 v6, v57  }
0x136: {  	v61 =	vmul.f32 v44, v31;
	v10 =	vadd.f32 v59, v10;
	v5 =	vmul.f32 v5, v57;
	[tilespmem:s30+$0x10000] =	vst v7  }
0x137: {  	s0 =	sadd.s32 $0x1, s0;
	v62 =	vmul.f32 v44, v22;
	v60 =	vadd.f32 v58, v12;
	v7 =	vmul.f32 v9, v57;
	[tilespmem:s30+$0x10010] =	vst v6  }
0x138: {  	p0 =	sne.s32 s0, $0x4;
	v6 =	vadd.f32 v61, v8;
	[tilespmem:s30+$0x10030] =	vst v5;
	v5 =	vmul.f32 v10, v57  }
.Ltmp3:
0x139: {  	v63 =	vadd.f32 v62, v15;
	[tilespmem:s30+$0x10020] =	vst v7;
	v7 =	vmul.f32 v60, v57;
	(pc) =	sbr.rel @p0 .LBB2_7-.Ltmp3, $4  }
0x13a: {  	v6 =	vmul.f32 v6, v57;
	[tilespmem:s30+$0x10050] =	vst v5  }
0x13b: {  	v5 =	vmul.f32 v63, v57;
	[tilespmem:s30+$0x10040] =	vst v7  }
0x13c: {  	[tilespmem:s30+$0x10060] =	vst v6  }
0x13d: {  	s29 =	sadd.s32 $0x1C00, s29;
	[tilespmem:s30+$0x10070] =	vst v5  }
0x13e: {  	s0 =	sshll.u32 s28, $0x7;
	s28 =	sadd.s32 $0x1, s28  }
0x13f: {  	p0 =	sne.s32 s28, $0x8  }
.Ltmp4:
0x140: {  	s0 =	sadd.s32 s0, s9;
	(pc) =	sbr.rel @p0 .LBB2_2-.Ltmp4, $4  }
0x141: {  	[hbm4b:s0+s3] =	stream.linear.scatter [tilespmem:s24], [sflag:$0x3], $0x200, $0x38;
	[tilespmem:$0x10200] =	vst v63  }
0x142: {  	_ =	swait.ge [sflag:s11], $0x200  }
0x143: {  	[sflag:s11] =	ssyncset.done $0x0  }
0x144: {  	[sflag:s11] =	ssyncadd.s32 $0xFFFFFE00  }
0x145: {  	s26 =	sadd.s32 $0x1, s26  }
0x146: {  	p0 =	sne.s32 s26, s10  }
.Ltmp5:
0x147: {  	_ = 	snop;
	(pc) =	sbr.rel @p0 .LBB2_1-.Ltmp5, $1  }
0x148: {  	_ =	sdelay $0x3  }
0x149: {  	_ =	sfence.sel $0x180000  }
0x14a: {  	[bflag:$0x0] =	sbarrier.arrive $0xFFFF  }
0x14b: {  	_ =	strace $0x90000047  }
0x14c: {  	s0 =	stileid.u32;
	[bflag:$0x2] =	sbarrier.arrive $0xFFFF  }
0x14d: {  	p0 =	sne.s32 s0, $0x0;
	s0 =	rddreg [dreg:$0x3]  }
0x14e: {  	s0 =	sadd.s32 @!p0 $0x100000, s0  }
0x14f: {  	[sflag:s0] =	ssyncadd.tile.s32 @!p0 $0x1;
	_ =	shalt  }
.Lfunc_end2:
_tile_overlayer_lowered:
.L_overlay_start_2:
0x150: {  	(tag) =	ssettag $0x2  }
0x151: {  	s0 =	rddreg [dreg:$0x0];
	s2 =	stileid.u32  }
0x152: {  	s1 =	rddreg [dreg:$0x1];
	p0 =	sne.s32 s2, $0x0  }
0x153: {  	s3 =	rddreg [dreg:$0x2];
	[bflag:$0x3] =	sbarrier.arrive $0xFFFF;
	s2 =	simm.s32 @!p0 $0x1C03  }
0x154: {  	[timem:s3], [sflag:s2] =	dma.local @!p0 [hbm:s0], s1  }
0x155: {  	s0 =	simm.s32 @!p0 $0x3  }
0x156: {  	_ =	swait.ge @!p0 [sflag:s0], s1  }
0x157: {  	s1 =	ssub.s32 @!p0 $0x0, s1;
	[sflag:s0] =	ssyncset.done @!p0 $0x0  }
0x158: {  	[sflag:s0] =	ssyncadd.s32 @!p0 s1  }
0x159: {  	[bflag:$0x3] =	sbarrier.arrive $0xFFFF  }
0x15a: {  	_ =	shalt  }

</sc_bundles>
